<compile_context>
chip_gen: v7x
topology: tpu7x:2x2x1
jax: 0.10.2.dev20260603
libtpu: 0.0.44.dev20260713+nightly
codegen_flags: <defaults>
</compile_context>

<pallas_src>
import functools

import jax
import jax.numpy as jnp
from jax import lax
from jax.experimental import pallas as pl
from jax.experimental.pallas import tpu as pltpu
from jax.experimental.pallas import tpu_sc as plsc

B = 8
T = 576
D = 256
K = 8192
N = B * T
TN = 256
NB = N // TN
KB = 512
NKB = K // KB
TS = 64
NSLAB = TN // TS


def _k1_body(x_ref, e_ref, x2_ref, e2_ref, idx_ref, enc_hbm, enc_v, sems):
    i = pl.program_id(0)
    xb = x_ref[0]
    x2 = x2_ref[0]
    xb2 = xb + xb
    iota_f = lax.broadcasted_iota(jnp.int32, (TN, KB), 1).astype(jnp.float32)
    best_val = jnp.full((TN, 1), jnp.inf, jnp.float32)
    best_idxf = jnp.zeros((TN, 1), jnp.float32)
    for kb in range(NKB):
        eb = e_ref[pl.ds(kb * KB, KB), :]
        e2b = e2_ref[0, pl.ds(kb * KB, KB)]
        m2 = lax.dot_general(xb2, eb, (((1,), (1,)), ((), ())),
                             preferred_element_type=jnp.float32)
        d = (x2 + e2b[None, :]) - m2
        lmin = jnp.min(d, axis=1, keepdims=True)
        lidxf = jnp.min(jnp.where(d == lmin, iota_f, jnp.float32(KB)),
                        axis=1, keepdims=True)
        upd = lmin < best_val
        best_val = jnp.where(upd, lmin, best_val)
        best_idxf = jnp.where(upd, lidxf + jnp.float32(kb * KB), best_idxf)
    best_idx = best_idxf.astype(jnp.int32)
    idx_ref[0, 0, :] = best_idx[:, 0]
    iota_full = lax.broadcasted_iota(jnp.int32, (TS, K), 1)
    par = lax.rem(i, 2)
    for s in range(NSLAB):
        slot = par * NSLAB + s

        @pl.when(i >= 2)
        def _wait_prev():
            pltpu.make_async_copy(
                enc_v.at[slot],
                enc_hbm.at[i, pl.ds(s * TS, TS), :],
                sems.at[slot]).wait()

        enc_v[slot, :, :] = (
            iota_full == best_idx[s * TS:(s + 1) * TS]).astype(jnp.float32)
        pltpu.make_async_copy(
            enc_v.at[slot],
            enc_hbm.at[i, pl.ds(s * TS, TS), :],
            sems.at[slot]).start()

    @pl.when(i == NB - 1)
    def _drain():
        for s in range(2 * NSLAB):
            pltpu.make_async_copy(
                enc_v.at[s],
                enc_hbm.at[i, pl.ds(0, TS), :],
                sems.at[s]).wait()


def _k4_body(idx_ref, lp_ref, loss_ref, perp_ref):
    idx = idx_ref[...]
    c = jnp.zeros((B, T), jnp.float32)
    for bp in range(B):
        c += (idx == idx[bp:bp + 1, :]).astype(jnp.float32)
    h = -(1.0 / B) * jnp.log(c * (1.0 / B) + 1e-10)
    perp_ref[...] = jnp.exp(jnp.sum(h)).reshape(1, 1)
    loss_ref[...] = (0.25 * (jnp.sum(lp_ref[...]) /
                             jnp.float32(N * D))).reshape(1, 1)


def _sc_gather_qst(table, idx, x):
    info = plsc.get_sparse_core_info()
    nw = info.num_cores * info.num_subcores
    b_per_w = N // nw
    mesh = plsc.VectorSubcoreMesh(core_axis_name="c", subcore_axis_name="s")

    @functools.partial(
        pl.kernel, mesh=mesh,
        out_type=[
            jax.ShapeDtypeStruct((N, D), jnp.float32),
            jax.ShapeDtypeStruct((nw, 16), jnp.float32),
        ],
        scratch_types=[
            pltpu.VMEM((b_per_w,), jnp.int32),
            pltpu.VMEM((b_per_w, D), jnp.float32),
            pltpu.VMEM((b_per_w, D), jnp.float32),
            pltpu.VMEM((16,), jnp.float32),
            pltpu.SemaphoreType.DMA,
        ],
    )
    def gather_kernel(table_hbm, idx_hbm, x_hbm, qst_hbm, lp_hbm,
                      idx_v, rows_v, x_v, lp_v, sem):
        wid = lax.axis_index("s") * info.num_cores + lax.axis_index("c")
        base = wid * b_per_w
        pltpu.sync_copy(idx_hbm.at[pl.ds(base, b_per_w)], idx_v)
        pltpu.sync_copy(x_hbm.at[pl.ds(base, b_per_w)], x_v)
        pltpu.async_copy(table_hbm.at[idx_v], rows_v, sem).wait()

        def body(r, acc):
            for c16 in range(D // 16):
                q16 = rows_v[r, pl.ds(16 * c16, 16)]
                x16 = x_v[r, pl.ds(16 * c16, 16)]
                dlt = q16 - x16
                rows_v[r, pl.ds(16 * c16, 16)] = x16 + dlt
                acc = acc + dlt * dlt
            return acc

        acc = lax.fori_loop(0, b_per_w, body, jnp.zeros((16,), jnp.float32))
        lp_v[...] = acc
        pltpu.sync_copy(rows_v, qst_hbm.at[pl.ds(base, b_per_w)])
        pltpu.sync_copy(lp_v, lp_hbm.at[wid])

    return gather_kernel(table, idx, x)


def kernel(inputs, embedding):
    flat = inputs.reshape(N, D)
    x2 = jnp.sum(flat ** 2, axis=1, keepdims=True)
    e2 = jnp.sum(embedding ** 2, axis=1)
    xr = flat.reshape(NB, TN, D)

    idx3, enc = pl.pallas_call(
        _k1_body,
        grid=(NB,),
        in_specs=[
            pl.BlockSpec((1, TN, D), lambda i: (i, 0, 0)),
            pl.BlockSpec((K, D), lambda i: (0, 0)),
            pl.BlockSpec((1, TN, 1), lambda i: (i, 0, 0)),
            pl.BlockSpec((1, K), lambda i: (0, 0)),
        ],
        out_specs=[
            pl.BlockSpec((1, 1, TN), lambda i: (i, 0, 0)),
            pl.BlockSpec(memory_space=pl.ANY),
        ],
        out_shape=[
            jax.ShapeDtypeStruct((NB, 1, TN), jnp.int32),
            jax.ShapeDtypeStruct((NB, TN, K), jnp.float32),
        ],
        scratch_shapes=[
            pltpu.VMEM((2 * NSLAB, TS, K), jnp.float32),
            pltpu.SemaphoreType.DMA((2 * NSLAB,)),
        ],
    )(xr, embedding, x2.reshape(NB, TN, 1), e2.reshape(1, K))

    idx_flat = idx3.reshape(N)
    qst, lp = _sc_gather_qst(embedding, idx_flat, flat)

    loss2, perp = pl.pallas_call(
        _k4_body,
        grid=(1,),
        in_specs=[
            pl.BlockSpec((B, T), lambda i: (0, 0)),
            pl.BlockSpec(lp.shape, lambda i: (0, 0)),
        ],
        out_specs=[
            pl.BlockSpec((1, 1), lambda i: (0, 0)),
            pl.BlockSpec((1, 1), lambda i: (0, 0)),
        ],
        out_shape=[
            jax.ShapeDtypeStruct((1, 1), jnp.float32),
            jax.ShapeDtypeStruct((1, 1), jnp.float32),
        ],
    )(idx_flat.reshape(B, T), lp)

    loss = loss2.reshape(())
    quantized_st = qst.reshape(B, T * D)
    perplexity = perp.reshape(())
    idx_out = idx_flat.reshape(B, T)
    encodings_r = enc.reshape(B, T, K)
    return (loss, quantized_st, perplexity, idx_out, encodings_r)

# --- scband reference (transcript-rebuilt; emitter-appended) ---
"""Pipeline reference for scband-vector-quantizer-ema-90263032693003 (READ-ONLY COPY).

The authoritative reference and input builder live on the scoring server;
editing this copy changes nothing except your own understanding.
"""

import jax, jax.numpy as jnp
import numpy as np

NUM_EMBEDDINGS = 8192
EMBEDDING_DIM = 256
COMMITMENT_COST = 0.25


def setup_inputs(seed: int = 0) -> dict:
    key = jax.random.key(seed)
    k1, k2 = jax.random.split(key)
    inputs = jax.random.normal(k1, (8, 576, 256), dtype=jnp.float32)
    # embedding initialized uniform(-1/K, 1/K) as in the torch module
    embedding = jax.random.uniform(
        k2, (NUM_EMBEDDINGS, EMBEDDING_DIM), dtype=jnp.float32,
        minval=-1.0 / NUM_EMBEDDINGS, maxval=1.0 / NUM_EMBEDDINGS)
    return {"inputs": inputs, "embedding": embedding}


def reference(inputs, embedding):
    # eval-mode forward of VectorQuantizerEMA (no EMA buffer updates)
    B = inputs.shape[0]
    x = inputs.reshape(B, -1, EMBEDDING_DIM)
    T = x.shape[1]
    flat = x.reshape(-1, EMBEDDING_DIM)  # [N, D]
    # distances [N, K]
    distances = (jnp.sum(flat ** 2, axis=1, keepdims=True)
                 + jnp.sum(embedding ** 2, axis=1)
                 - 2.0 * jnp.matmul(flat, embedding.T))
    encoding_indices = jnp.argmin(distances, axis=1)  # [N]
    encodings = jax.nn.one_hot(encoding_indices, NUM_EMBEDDINGS, dtype=jnp.float32)  # [N, K]
    quantized = jnp.matmul(encodings, embedding)  # [N, D]
    quantized = quantized.reshape(B, -1)  # [B, T*D]
    encodings_r = encodings.reshape(B, T, NUM_EMBEDDINGS)
    inputs_flat = inputs.reshape(B, -1)  # [B, T*D]
    # commitment loss (EMA variant only has e_latent term)
    e_latent_loss = jnp.mean((jax.lax.stop_gradient(quantized) - inputs_flat) ** 2)
    loss = COMMITMENT_COST * e_latent_loss
    # straight-through estimator
    quantized_st = inputs_flat + jax.lax.stop_gradient(quantized - inputs_flat)
    avg_probs = jnp.mean(encodings_r, axis=0)  # [T, K]
    perplexity = jnp.exp(-jnp.sum(avg_probs * jnp.log(avg_probs + 1e-10)))
    idx_out = encoding_indices.reshape(B, T)
    return (loss, quantized_st, perplexity, idx_out, encodings_r)

if __name__ == "__main__":
    import jax
    _d = setup_inputs()
    print(jax.jit(kernel)(*tuple(_d.values())))

</pallas_src>

<mosaic_0001>
#map = affine_map<(d0, d1) -> (0, 0)>
#map1 = affine_map<(d0, d1) -> (0)>
module attributes {stable_mosaic.version = 14 : i64} {
  func.func @gather_kernel(%arg0: i32, %arg1: i32, %arg2: memref<8192x256xf32, #tpu.memory_space<hbm>>, %arg3: memref<4608xi32, #tpu.memory_space<hbm>>, %arg4: memref<4608x256xf32, #tpu.memory_space<hbm>>, %arg5: memref<4608x256xf32, #tpu.memory_space<hbm>>, %arg6: memref<32x16xf32, #tpu.memory_space<hbm>>, %arg7: memref<144xi32, #tpu.memory_space<vmem>>, %arg8: memref<144x256xf32, #tpu.memory_space<vmem>>, %arg9: memref<144x256xf32, #tpu.memory_space<vmem>>, %arg10: memref<16xf32, #tpu.memory_space<vmem>>, %arg11: memref<!tpu.dma_semaphore, #tpu.memory_space<semaphore_mem>>) attributes {dimension_semantics = [#tpu.dimension_semantics<core_parallel>, #tpu.dimension_semantics<subcore_parallel>], iteration_bounds = array<i64: 2, 16>, scalar_prefetch = 0 : i64, scratch_operands = 5 : i64, tpu.core_type = #tpu.core_type<sc_vector_subcore>, window_params = [{transform_indices = #map}, {transform_indices = #map1}, {transform_indices = #map}, {transform_indices = #map}, {transform_indices = #map}]} {
    %mul3A = arith.constant 2 : i32
    %mul3A_0 = arith.muli %arg1, %mul3A : i32
    %add3A = arith.addi %mul3A_0, %arg0 : i32
    %mul3A_1 = arith.constant 144 : i32
    %mul3A_2 = arith.muli %add3A, %mul3A_1 : i32
    "tpu.region"() ({
      %run_scoped3A = tpu.sem_alloc : memref<!tpu.dma_semaphore, #tpu.memory_space<semaphore_mem>>
      %dma_start3A_16 = tpu.memref_slice %arg3[%mul3A_2] : memref<4608xi32, #tpu.memory_space<hbm>> -> memref<144xi32, #tpu.memory_space<hbm>>
      %dma_start3A_17 = tpu.memref_slice %arg3[%mul3A_2] : memref<4608xi32, #tpu.memory_space<hbm>> -> memref<144xi32, #tpu.memory_space<hbm>>
      tpu.enqueue_dma source(%dma_start3A_17 : memref<144xi32, #tpu.memory_space<hbm>>) target(%arg7 : memref<144xi32, #tpu.memory_space<vmem>>) target_semaphore(%run_scoped3A : memref<!tpu.dma_semaphore, #tpu.memory_space<semaphore_mem>>)
      %dma_wait3A_18 = tpu.memref_slice %arg3[%mul3A_2] : memref<4608xi32, #tpu.memory_space<hbm>> -> memref<144xi32, #tpu.memory_space<hbm>>
      %dma_wait3A_19 = tpu.memref_slice %arg3[%mul3A_2] : memref<4608xi32, #tpu.memory_space<hbm>> -> memref<144xi32, #tpu.memory_space<hbm>>
      tpu.wait_dma2 semaphore(%run_scoped3A : memref<!tpu.dma_semaphore, #tpu.memory_space<semaphore_mem>>) src(%dma_wait3A_19 : memref<144xi32, #tpu.memory_space<hbm>>) dst(%arg7 : memref<144xi32, #tpu.memory_space<vmem>>)
      tpu.yield
    }) : () -> ()
    "tpu.region"() ({
      %run_scoped3A = tpu.sem_alloc : memref<!tpu.dma_semaphore, #tpu.memory_space<semaphore_mem>>
      %dma_start3A_16 = arith.constant 0 : i32
      %dma_start3A_17 = tpu.memref_slice %arg4[%mul3A_2, %dma_start3A_16] : memref<4608x256xf32, #tpu.memory_space<hbm>> -> memref<144x256xf32, #tpu.memory_space<hbm>>
      %dma_start3A_18 = arith.constant 0 : i32
      %dma_start3A_19 = tpu.memref_slice %arg4[%mul3A_2, %dma_start3A_18] : memref<4608x256xf32, #tpu.memory_space<hbm>> -> memref<144x256xf32, #tpu.memory_space<hbm>>
      tpu.enqueue_dma source(%dma_start3A_19 : memref<144x256xf32, #tpu.memory_space<hbm>>) target(%arg9 : memref<144x256xf32, #tpu.memory_space<vmem>>) target_semaphore(%run_scoped3A : memref<!tpu.dma_semaphore, #tpu.memory_space<semaphore_mem>>)
      %dma_wait3A_20 = arith.constant 0 : i32
      %dma_wait3A_21 = tpu.memref_slice %arg4[%mul3A_2, %dma_wait3A_20] : memref<4608x256xf32, #tpu.memory_space<hbm>> -> memref<144x256xf32, #tpu.memory_space<hbm>>
      %dma_wait3A_22 = arith.constant 0 : i32
      %dma_wait3A_23 = tpu.memref_slice %arg4[%mul3A_2, %dma_wait3A_22] : memref<4608x256xf32, #tpu.memory_space<hbm>> -> memref<144x256xf32, #tpu.memory_space<hbm>>
      tpu.wait_dma2 semaphore(%run_scoped3A : memref<!tpu.dma_semaphore, #tpu.memory_space<semaphore_mem>>) src(%dma_wait3A_23 : memref<144x256xf32, #tpu.memory_space<hbm>>) dst(%arg9 : memref<144x256xf32, #tpu.memory_space<vmem>>)
      tpu.yield
    }) : () -> ()
    %dma_start3A = arith.constant 0 : i32
    %dma_start3A_3 = arith.constant 0 : i32
    %dma_start3A_4 = tpu.memref_slice %arg2[%dma_start3A, %dma_start3A_3] : memref<8192x256xf32, #tpu.memory_space<hbm>> -> memref<8192x256xf32, #tpu.memory_space<hbm>>
    tpu.enqueue_indirect_dma source(%dma_start3A_4 : memref<8192x256xf32, #tpu.memory_space<hbm>>) target(%arg8 : memref<144x256xf32, #tpu.memory_space<vmem>>) offsets(%arg7 : memref<144xi32, #tpu.memory_space<vmem>>) semaphore(%arg11 : memref<!tpu.dma_semaphore, #tpu.memory_space<semaphore_mem>>)
    %dma_wait3A = arith.constant 0 : i32
    %dma_wait3A_5 = arith.constant 0 : i32
    %dma_wait3A_6 = tpu.memref_slice %arg2[%dma_wait3A, %dma_wait3A_5] : memref<8192x256xf32, #tpu.memory_space<hbm>> -> memref<8192x256xf32, #tpu.memory_space<hbm>>
    tpu.wait_indirect_dma semaphore(%arg11 : memref<!tpu.dma_semaphore, #tpu.memory_space<semaphore_mem>>) src(%dma_wait3A_6 : memref<8192x256xf32, #tpu.memory_space<hbm>>) dst(%arg8 : memref<144x256xf32, #tpu.memory_space<vmem>>)
    %broadcast_in_dim3A = arith.constant 0.000000e+00 : f32
    %broadcast_in_dim3A_7 = vector.broadcast %broadcast_in_dim3A : f32 to vector<16xf32>
    %scan3A = arith.constant 0 : i32
    %scan3A_8 = arith.constant 144 : i32
    %scan3A_9 = arith.addi %scan3A, %scan3A_8 : i32
    %scan3A_10 = arith.constant 1 : i32
    %scan3A_11 = scf.for %scan3A_16 = %scan3A to %scan3A_9 step %scan3A_10 iter_args(%scan3A_17 = %broadcast_in_dim3A_7) -> (vector<16xf32>)  : i32 {
      %get3A = arith.index_cast %scan3A_16 : i32 to index
      %get3A_18 = arith.constant 0 : index
      %get3A_19 = tpu.vector_load %arg8[%get3A, %get3A_18] {strides = array<i32>} : memref<144x256xf32, #tpu.memory_space<vmem>>, vector<1x16xf32>,
      %get3A_20 = vector.shape_cast %get3A_19 : vector<1x16xf32> to vector<16xf32>
      %get3A_21 = arith.index_cast %scan3A_16 : i32 to index
      %get3A_22 = arith.constant 0 : index
      %get3A_23 = tpu.vector_load %arg9[%get3A_21, %get3A_22] {strides = array<i32>} : memref<144x256xf32, #tpu.memory_space<vmem>>, vector<1x16xf32>,
      %get3A_24 = vector.shape_cast %get3A_23 : vector<1x16xf32> to vector<16xf32>
      %sub3A = arith.subf %get3A_20, %get3A_24 : vector<16xf32>
      %add3A_25 = arith.addf %get3A_24, %sub3A : vector<16xf32>
      %swap3A_26 = arith.index_cast %scan3A_16 : i32 to index
      %swap3A_27 = arith.constant 0 : index
      %swap3A_28 = tpu.vector_load %arg8[%swap3A_26, %swap3A_27] {strides = array<i32>} : memref<144x256xf32, #tpu.memory_space<vmem>>, vector<1x16xf32>,
      %swap3A_29 = vector.shape_cast %swap3A_28 : vector<1x16xf32> to vector<16xf32>
      %swap3A_30 = vector.shape_cast %add3A_25 : vector<16xf32> to vector<1x16xf32>
      tpu.vector_store %arg8[%swap3A_26, %swap3A_27], %swap3A_30 {strides = array<i32>} : memref<144x256xf32, #tpu.memory_space<vmem>>, vector<1x16xf32>,
      %mul3A_31 = arith.mulf %sub3A, %sub3A : vector<16xf32>
      %add3A_32 = arith.addf %scan3A_17, %mul3A_31 : vector<16xf32>
      %get3A_33 = arith.index_cast %scan3A_16 : i32 to index
      %get3A_34 = arith.constant 16 : index
      %get3A_35 = tpu.vector_load %arg8[%get3A_33, %get3A_34] {strides = array<i32>} : memref<144x256xf32, #tpu.memory_space<vmem>>, vector<1x16xf32>,
      %get3A_36 = vector.shape_cast %get3A_35 : vector<1x16xf32> to vector<16xf32>
      %get3A_37 = arith.index_cast %scan3A_16 : i32 to index
      %get3A_38 = arith.constant 16 : index
      %get3A_39 = tpu.vector_load %arg9[%get3A_37, %get3A_38] {strides = array<i32>} : memref<144x256xf32, #tpu.memory_space<vmem>>, vector<1x16xf32>,
      %get3A_40 = vector.shape_cast %get3A_39 : vector<1x16xf32> to vector<16xf32>
      %sub3A_41 = arith.subf %get3A_36, %get3A_40 : vector<16xf32>
      %add3A_42 = arith.addf %get3A_40, %sub3A_41 : vector<16xf32>
      %swap3A_43 = arith.index_cast %scan3A_16 : i32 to index
      %swap3A_44 = arith.constant 16 : index
      %swap3A_45 = tpu.vector_load %arg8[%swap3A_43, %swap3A_44] {strides = array<i32>} : memref<144x256xf32, #tpu.memory_space<vmem>>, vector<1x16xf32>,
      %swap3A_46 = vector.shape_cast %swap3A_45 : vector<1x16xf32> to vector<16xf32>
      %swap3A_47 = vector.shape_cast %add3A_42 : vector<16xf32> to vector<1x16xf32>
      tpu.vector_store %arg8[%swap3A_43, %swap3A_44], %swap3A_47 {strides = array<i32>} : memref<144x256xf32, #tpu.memory_space<vmem>>, vector<1x16xf32>,
      %mul3A_48 = arith.mulf %sub3A_41, %sub3A_41 : vector<16xf32>
      %add3A_49 = arith.addf %add3A_32, %mul3A_48 : vector<16xf32>
      %get3A_50 = arith.index_cast %scan3A_16 : i32 to index
      %get3A_51 = arith.constant 32 : index
      %get3A_52 = tpu.vector_load %arg8[%get3A_50, %get3A_51] {strides = array<i32>} : memref<144x256xf32, #tpu.memory_space<vmem>>, vector<1x16xf32>,
      %get3A_53 = vector.shape_cast %get3A_52 : vector<1x16xf32> to vector<16xf32>
      %get3A_54 = arith.index_cast %scan3A_16 : i32 to index
      %get3A_55 = arith.constant 32 : index
      %get3A_56 = tpu.vector_load %arg9[%get3A_54, %get3A_55] {strides = array<i32>} : memref<144x256xf32, #tpu.memory_space<vmem>>, vector<1x16xf32>,
      %get3A_57 = vector.shape_cast %get3A_56 : vector<1x16xf32> to vector<16xf32>
      %sub3A_58 = arith.subf %get3A_53, %get3A_57 : vector<16xf32>
      %add3A_59 = arith.addf %get3A_57, %sub3A_58 : vector<16xf32>
      %swap3A_60 = arith.index_cast %scan3A_16 : i32 to index
      %swap3A_61 = arith.constant 32 : index
      %swap3A_62 = tpu.vector_load %arg8[%swap3A_60, %swap3A_61] {strides = array<i32>} : memref<144x256xf32, #tpu.memory_space<vmem>>, vector<1x16xf32>,
      %swap3A_63 = vector.shape_cast %swap3A_62 : vector<1x16xf32> to vector<16xf32>
      %swap3A_64 = vector.shape_cast %add3A_59 : vector<16xf32> to vector<1x16xf32>
      tpu.vector_store %arg8[%swap3A_60, %swap3A_61], %swap3A_64 {strides = array<i32>} : memref<144x256xf32, #tpu.memory_space<vmem>>, vector<1x16xf32>,
      %mul3A_65 = arith.mulf %sub3A_58, %sub3A_58 : vector<16xf32>
      %add3A_66 = arith.addf %add3A_49, %mul3A_65 : vector<16xf32>
      %get3A_67 = arith.index_cast %scan3A_16 : i32 to index
      %get3A_68 = arith.constant 48 : index
      %get3A_69 = tpu.vector_load %arg8[%get3A_67, %get3A_68] {strides = array<i32>} : memref<144x256xf32, #tpu.memory_space<vmem>>, vector<1x16xf32>,
      %get3A_70 = vector.shape_cast %get3A_69 : vector<1x16xf32> to vector<16xf32>
      %get3A_71 = arith.index_cast %scan3A_16 : i32 to index
      %get3A_72 = arith.constant 48 : index
      %get3A_73 = tpu.vector_load %arg9[%get3A_71, %get3A_72] {strides = array<i32>} : memref<144x256xf32, #tpu.memory_space<vmem>>, vector<1x16xf32>,
      %get3A_74 = vector.shape_cast %get3A_73 : vector<1x16xf32> to vector<16xf32>
      %sub3A_75 = arith.subf %get3A_70, %get3A_74 : vector<16xf32>
      %add3A_76 = arith.addf %get3A_74, %sub3A_75 : vector<16xf32>
      %swap3A_77 = arith.index_cast %scan3A_16 : i32 to index
      %swap3A_78 = arith.constant 48 : index
      %swap3A_79 = tpu.vector_load %arg8[%swap3A_77, %swap3A_78] {strides = array<i32>} : memref<144x256xf32, #tpu.memory_space<vmem>>, vector<1x16xf32>,
      %swap3A_80 = vector.shape_cast %swap3A_79 : vector<1x16xf32> to vector<16xf32>
      %swap3A_81 = vector.shape_cast %add3A_76 : vector<16xf32> to vector<1x16xf32>
      tpu.vector_store %arg8[%swap3A_77, %swap3A_78], %swap3A_81 {strides = array<i32>} : memref<144x256xf32, #tpu.memory_space<vmem>>, vector<1x16xf32>,
      %mul3A_82 = arith.mulf %sub3A_75, %sub3A_75 : vector<16xf32>
      %add3A_83 = arith.addf %add3A_66, %mul3A_82 : vector<16xf32>
      %get3A_84 = arith.index_cast %scan3A_16 : i32 to index
      %get3A_85 = arith.constant 64 : index
      %get3A_86 = tpu.vector_load %arg8[%get3A_84, %get3A_85] {strides = array<i32>} : memref<144x256xf32, #tpu.memory_space<vmem>>, vector<1x16xf32>,
      %get3A_87 = vector.shape_cast %get3A_86 : vector<1x16xf32> to vector<16xf32>
      %get3A_88 = arith.index_cast %scan3A_16 : i32 to index
      %get3A_89 = arith.constant 64 : index
      %get3A_90 = tpu.vector_load %arg9[%get3A_88, %get3A_89] {strides = array<i32>} : memref<144x256xf32, #tpu.memory_space<vmem>>, vector<1x16xf32>,
      %get3A_91 = vector.shape_cast %get3A_90 : vector<1x16xf32> to vector<16xf32>
      %sub3A_92 = arith.subf %get3A_87, %get3A_91 : vector<16xf32>
      %add3A_93 = arith.addf %get3A_91, %sub3A_92 : vector<16xf32>
      %swap3A_94 = arith.index_cast %scan3A_16 : i32 to index
      %swap3A_95 = arith.constant 64 : index
      %swap3A_96 = tpu.vector_load %arg8[%swap3A_94, %swap3A_95] {strides = array<i32>} : memref<144x256xf32, #tpu.memory_space<vmem>>, vector<1x16xf32>,
      %swap3A_97 = vector.shape_cast %swap3A_96 : vector<1x16xf32> to vector<16xf32>
      %swap3A_98 = vector.shape_cast %add3A_93 : vector<16xf32> to vector<1x16xf32>
      tpu.vector_store %arg8[%swap3A_94, %swap3A_95], %swap3A_98 {strides = array<i32>} : memref<144x256xf32, #tpu.memory_space<vmem>>, vector<1x16xf32>,
      %mul3A_99 = arith.mulf %sub3A_92, %sub3A_92 : vector<16xf32>
      %add3A_100 = arith.addf %add3A_83, %mul3A_99 : vector<16xf32>
      %get3A_101 = arith.index_cast %scan3A_16 : i32 to index
      %get3A_102 = arith.constant 80 : index
      %get3A_103 = tpu.vector_load %arg8[%get3A_101, %get3A_102] {strides = array<i32>} : memref<144x256xf32, #tpu.memory_space<vmem>>, vector<1x16xf32>,
      %get3A_104 = vector.shape_cast %get3A_103 : vector<1x16xf32> to vector<16xf32>
      %get3A_105 = arith.index_cast %scan3A_16 : i32 to index
      %get3A_106 = arith.constant 80 : index
      %get3A_107 = tpu.vector_load %arg9[%get3A_105, %get3A_106] {strides = array<i32>} : memref<144x256xf32, #tpu.memory_space<vmem>>, vector<1x16xf32>,
      %get3A_108 = vector.shape_cast %get3A_107 : vector<1x16xf32> to vector<16xf32>
      %sub3A_109 = arith.subf %get3A_104, %get3A_108 : vector<16xf32>
      %add3A_110 = arith.addf %get3A_108, %sub3A_109 : vector<16xf32>
      %swap3A_111 = arith.index_cast %scan3A_16 : i32 to index
      %swap3A_112 = arith.constant 80 : index
      %swap3A_113 = tpu.vector_load %arg8[%swap3A_111, %swap3A_112] {strides = array<i32>} : memref<144x256xf32, #tpu.memory_space<vmem>>, vector<1x16xf32>,
      %swap3A_114 = vector.shape_cast %swap3A_113 : vector<1x16xf32> to vector<16xf32>
      %swap3A_115 = vector.shape_cast %add3A_110 : vector<16xf32> to vector<1x16xf32>
      tpu.vector_store %arg8[%swap3A_111, %swap3A_112], %swap3A_115 {strides = array<i32>} : memref<144x256xf32, #tpu.memory_space<vmem>>, vector<1x16xf32>,
      %mul3A_116 = arith.mulf %sub3A_109, %sub3A_109 : vector<16xf32>
      %add3A_117 = arith.addf %add3A_100, %mul3A_116 : vector<16xf32>
      %get3A_118 = arith.index_cast %scan3A_16 : i32 to index
      %get3A_119 = arith.constant 96 : index
      %get3A_120 = tpu.vector_load %arg8[%get3A_118, %get3A_119] {strides = array<i32>} : memref<144x256xf32, #tpu.memory_space<vmem>>, vector<1x16xf32>,
      %get3A_121 = vector.shape_cast %get3A_120 : vector<1x16xf32> to vector<16xf32>
      %get3A_122 = arith.index_cast %scan3A_16 : i32 to index
      %get3A_123 = arith.constant 96 : index
      %get3A_124 = tpu.vector_load %arg9[%get3A_122, %get3A_123] {strides = array<i32>} : memref<144x256xf32, #tpu.memory_space<vmem>>, vector<1x16xf32>,
      %get3A_125 = vector.shape_cast %get3A_124 : vector<1x16xf32> to vector<16xf32>
      %sub3A_126 = arith.subf %get3A_121, %get3A_125 : vector<16xf32>
      %add3A_127 = arith.addf %get3A_125, %sub3A_126 : vector<16xf32>
      %swap3A_128 = arith.index_cast %scan3A_16 : i32 to index
      %swap3A_129 = arith.constant 96 : index
      %swap3A_130 = tpu.vector_load %arg8[%swap3A_128, %swap3A_129] {strides = array<i32>} : memref<144x256xf32, #tpu.memory_space<vmem>>, vector<1x16xf32>,
      %swap3A_131 = vector.shape_cast %swap3A_130 : vector<1x16xf32> to vector<16xf32>
      %swap3A_132 = vector.shape_cast %add3A_127 : vector<16xf32> to vector<1x16xf32>
      tpu.vector_store %arg8[%swap3A_128, %swap3A_129], %swap3A_132 {strides = array<i32>} : memref<144x256xf32, #tpu.memory_space<vmem>>, vector<1x16xf32>,
      %mul3A_133 = arith.mulf %sub3A_126, %sub3A_126 : vector<16xf32>
      %add3A_134 = arith.addf %add3A_117, %mul3A_133 : vector<16xf32>
      %get3A_135 = arith.index_cast %scan3A_16 : i32 to index
      %get3A_136 = arith.constant 112 : index
      %get3A_137 = tpu.vector_load %arg8[%get3A_135, %get3A_136] {strides = array<i32>} : memref<144x256xf32, #tpu.memory_space<vmem>>, vector<1x16xf32>,
      %get3A_138 = vector.shape_cast %get3A_137 : vector<1x16xf32> to vector<16xf32>
      %get3A_139 = arith.index_cast %scan3A_16 : i32 to index
      %get3A_140 = arith.constant 112 : index
      %get3A_141 = tpu.vector_load %arg9[%get3A_139, %get3A_140] {strides = array<i32>} : memref<144x256xf32, #tpu.memory_space<vmem>>, vector<1x16xf32>,
      %get3A_142 = vector.shape_cast %get3A_141 : vector<1x16xf32> to vector<16xf32>
      %sub3A_143 = arith.subf %get3A_138, %get3A_142 : vector<16xf32>
      %add3A_144 = arith.addf %get3A_142, %sub3A_143 : vector<16xf32>
      %swap3A_145 = arith.index_cast %scan3A_16 : i32 to index
      %swap3A_146 = arith.constant 112 : index
      %swap3A_147 = tpu.vector_load %arg8[%swap3A_145, %swap3A_146] {strides = array<i32>} : memref<144x256xf32, #tpu.memory_space<vmem>>, vector<1x16xf32>,
      %swap3A_148 = vector.shape_cast %swap3A_147 : vector<1x16xf32> to vector<16xf32>
      %swap3A_149 = vector.shape_cast %add3A_144 : vector<16xf32> to vector<1x16xf32>
      tpu.vector_store %arg8[%swap3A_145, %swap3A_146], %swap3A_149 {strides = array<i32>} : memref<144x256xf32, #tpu.memory_space<vmem>>, vector<1x16xf32>,
      %mul3A_150 = arith.mulf %sub3A_143, %sub3A_143 : vector<16xf32>
      %add3A_151 = arith.addf %add3A_134, %mul3A_150 : vector<16xf32>
      %get3A_152 = arith.index_cast %scan3A_16 : i32 to index
      %get3A_153 = arith.constant 128 : index
      %get3A_154 = tpu.vector_load %arg8[%get3A_152, %get3A_153] {strides = array<i32>} : memref<144x256xf32, #tpu.memory_space<vmem>>, vector<1x16xf32>,
      %get3A_155 = vector.shape_cast %get3A_154 : vector<1x16xf32> to vector<16xf32>
      %get3A_156 = arith.index_cast %scan3A_16 : i32 to index
      %get3A_157 = arith.constant 128 : index
      %get3A_158 = tpu.vector_load %arg9[%get3A_156, %get3A_157] {strides = array<i32>} : memref<144x256xf32, #tpu.memory_space<vmem>>, vector<1x16xf32>,
      %get3A_159 = vector.shape_cast %get3A_158 : vector<1x16xf32> to vector<16xf32>
      %sub3A_160 = arith.subf %get3A_155, %get3A_159 : vector<16xf32>
      %add3A_161 = arith.addf %get3A_159, %sub3A_160 : vector<16xf32>
      %swap3A_162 = arith.index_cast %scan3A_16 : i32 to index
      %swap3A_163 = arith.constant 128 : index
      %swap3A_164 = tpu.vector_load %arg8[%swap3A_162, %swap3A_163] {strides = array<i32>} : memref<144x256xf32, #tpu.memory_space<vmem>>, vector<1x16xf32>,
      %swap3A_165 = vector.shape_cast %swap3A_164 : vector<1x16xf32> to vector<16xf32>
      %swap3A_166 = vector.shape_cast %add3A_161 : vector<16xf32> to vector<1x16xf32>
      tpu.vector_store %arg8[%swap3A_162, %swap3A_163], %swap3A_166 {strides = array<i32>} : memref<144x256xf32, #tpu.memory_space<vmem>>, vector<1x16xf32>,
      %mul3A_167 = arith.mulf %sub3A_160, %sub3A_160 : vector<16xf32>
      %add3A_168 = arith.addf %add3A_151, %mul3A_167 : vector<16xf32>
      %get3A_169 = arith.index_cast %scan3A_16 : i32 to index
      %get3A_170 = arith.constant 144 : index
      %get3A_171 = tpu.vector_load %arg8[%get3A_169, %get3A_170] {strides = array<i32>} : memref<144x256xf32, #tpu.memory_space<vmem>>, vector<1x16xf32>,
      %get3A_172 = vector.shape_cast %get3A_171 : vector<1x16xf32> to vector<16xf32>
      %get3A_173 = arith.index_cast %scan3A_16 : i32 to index
      %get3A_174 = arith.constant 144 : index
      %get3A_175 = tpu.vector_load %arg9[%get3A_173, %get3A_174] {strides = array<i32>} : memref<144x256xf32, #tpu.memory_space<vmem>>, vector<1x16xf32>,
      %get3A_176 = vector.shape_cast %get3A_175 : vector<1x16xf32> to vector<16xf32>
      %sub3A_177 = arith.subf %get3A_172, %get3A_176 : vector<16xf32>
      %add3A_178 = arith.addf %get3A_176, %sub3A_177 : vector<16xf32>
      %swap3A_179 = arith.index_cast %scan3A_16 : i32 to index
      %swap3A_180 = arith.constant 144 : index
      %swap3A_181 = tpu.vector_load %arg8[%swap3A_179, %swap3A_180] {strides = array<i32>} : memref<144x256xf32, #tpu.memory_space<vmem>>, vector<1x16xf32>,
      %swap3A_182 = vector.shape_cast %swap3A_181 : vector<1x16xf32> to vector<16xf32>
      %swap3A_183 = vector.shape_cast %add3A_178 : vector<16xf32> to vector<1x16xf32>
      tpu.vector_store %arg8[%swap3A_179, %swap3A_180], %swap3A_183 {strides = array<i32>} : memref<144x256xf32, #tpu.memory_space<vmem>>, vector<1x16xf32>,
      %mul3A_184 = arith.mulf %sub3A_177, %sub3A_177 : vector<16xf32>
      %add3A_185 = arith.addf %add3A_168, %mul3A_184 : vector<16xf32>
      %get3A_186 = arith.index_cast %scan3A_16 : i32 to index
      %get3A_187 = arith.constant 160 : index
      %get3A_188 = tpu.vector_load %arg8[%get3A_186, %get3A_187] {strides = array<i32>} : memref<144x256xf32, #tpu.memory_space<vmem>>, vector<1x16xf32>,
      %get3A_189 = vector.shape_cast %get3A_188 : vector<1x16xf32> to vector<16xf32>
      %get3A_190 = arith.index_cast %scan3A_16 : i32 to index
      %get3A_191 = arith.constant 160 : index
      %get3A_192 = tpu.vector_load %arg9[%get3A_190, %get3A_191] {strides = array<i32>} : memref<144x256xf32, #tpu.memory_space<vmem>>, vector<1x16xf32>,
      %get3A_193 = vector.shape_cast %get3A_192 : vector<1x16xf32> to vector<16xf32>
      %sub3A_194 = arith.subf %get3A_189, %get3A_193 : vector<16xf32>
      %add3A_195 = arith.addf %get3A_193, %sub3A_194 : vector<16xf32>
      %swap3A_196 = arith.index_cast %scan3A_16 : i32 to index
      %swap3A_197 = arith.constant 160 : index
      %swap3A_198 = tpu.vector_load %arg8[%swap3A_196, %swap3A_197] {strides = array<i32>} : memref<144x256xf32, #tpu.memory_space<vmem>>, vector<1x16xf32>,
      %swap3A_199 = vector.shape_cast %swap3A_198 : vector<1x16xf32> to vector<16xf32>
      %swap3A_200 = vector.shape_cast %add3A_195 : vector<16xf32> to vector<1x16xf32>
      tpu.vector_store %arg8[%swap3A_196, %swap3A_197], %swap3A_200 {strides = array<i32>} : memref<144x256xf32, #tpu.memory_space<vmem>>, vector<1x16xf32>,
      %mul3A_201 = arith.mulf %sub3A_194, %sub3A_194 : vector<16xf32>
      %add3A_202 = arith.addf %add3A_185, %mul3A_201 : vector<16xf32>
      %get3A_203 = arith.index_cast %scan3A_16 : i32 to index
      %get3A_204 = arith.constant 176 : index
      %get3A_205 = tpu.vector_load %arg8[%get3A_203, %get3A_204] {strides = array<i32>} : memref<144x256xf32, #tpu.memory_space<vmem>>, vector<1x16xf32>,
      %get3A_206 = vector.shape_cast %get3A_205 : vector<1x16xf32> to vector<16xf32>
      %get3A_207 = arith.index_cast %scan3A_16 : i32 to index
      %get3A_208 = arith.constant 176 : index
      %get3A_209 = tpu.vector_load %arg9[%get3A_207, %get3A_208] {strides = array<i32>} : memref<144x256xf32, #tpu.memory_space<vmem>>, vector<1x16xf32>,
      %get3A_210 = vector.shape_cast %get3A_209 : vector<1x16xf32> to vector<16xf32>
      %sub3A_211 = arith.subf %get3A_206, %get3A_210 : vector<16xf32>
      %add3A_212 = arith.addf %get3A_210, %sub3A_211 : vector<16xf32>
      %swap3A_213 = arith.index_cast %scan3A_16 : i32 to index
      %swap3A_214 = arith.constant 176 : index
      %swap3A_215 = tpu.vector_load %arg8[%swap3A_213, %swap3A_214] {strides = array<i32>} : memref<144x256xf32, #tpu.memory_space<vmem>>, vector<1x16xf32>,
      %swap3A_216 = vector.shape_cast %swap3A_215 : vector<1x16xf32> to vector<16xf32>
      %swap3A_217 = vector.shape_cast %add3A_212 : vector<16xf32> to vector<1x16xf32>
      tpu.vector_store %arg8[%swap3A_213, %swap3A_214], %swap3A_217 {strides = array<i32>} : memref<144x256xf32, #tpu.memory_space<vmem>>, vector<1x16xf32>,
      %mul3A_218 = arith.mulf %sub3A_211, %sub3A_211 : vector<16xf32>
      %add3A_219 = arith.addf %add3A_202, %mul3A_218 : vector<16xf32>
      %get3A_220 = arith.index_cast %scan3A_16 : i32 to index
      %get3A_221 = arith.constant 192 : index
      %get3A_222 = tpu.vector_load %arg8[%get3A_220, %get3A_221] {strides = array<i32>} : memref<144x256xf32, #tpu.memory_space<vmem>>, vector<1x16xf32>,
      %get3A_223 = vector.shape_cast %get3A_222 : vector<1x16xf32> to vector<16xf32>
      %get3A_224 = arith.index_cast %scan3A_16 : i32 to index
      %get3A_225 = arith.constant 192 : index
      %get3A_226 = tpu.vector_load %arg9[%get3A_224, %get3A_225] {strides = array<i32>} : memref<144x256xf32, #tpu.memory_space<vmem>>, vector<1x16xf32>,
      %get3A_227 = vector.shape_cast %get3A_226 : vector<1x16xf32> to vector<16xf32>
      %sub3A_228 = arith.subf %get3A_223, %get3A_227 : vector<16xf32>
      %add3A_229 = arith.addf %get3A_227, %sub3A_228 : vector<16xf32>
      %swap3A_230 = arith.index_cast %scan3A_16 : i32 to index
      %swap3A_231 = arith.constant 192 : index
      %swap3A_232 = tpu.vector_load %arg8[%swap3A_230, %swap3A_231] {strides = array<i32>} : memref<144x256xf32, #tpu.memory_space<vmem>>, vector<1x16xf32>,
      %swap3A_233 = vector.shape_cast %swap3A_232 : vector<1x16xf32> to vector<16xf32>
      %swap3A_234 = vector.shape_cast %add3A_229 : vector<16xf32> to vector<1x16xf32>
      tpu.vector_store %arg8[%swap3A_230, %swap3A_231], %swap3A_234 {strides = array<i32>} : memref<144x256xf32, #tpu.memory_space<vmem>>, vector<1x16xf32>,
      %mul3A_235 = arith.mulf %sub3A_228, %sub3A_228 : vector<16xf32>
      %add3A_236 = arith.addf %add3A_219, %mul3A_235 : vector<16xf32>
      %get3A_237 = arith.index_cast %scan3A_16 : i32 to index
      %get3A_238 = arith.constant 208 : index
      %get3A_239 = tpu.vector_load %arg8[%get3A_237, %get3A_238] {strides = array<i32>} : memref<144x256xf32, #tpu.memory_space<vmem>>, vector<1x16xf32>,
      %get3A_240 = vector.shape_cast %get3A_239 : vector<1x16xf32> to vector<16xf32>
      %get3A_241 = arith.index_cast %scan3A_16 : i32 to index
      %get3A_242 = arith.constant 208 : index
      %get3A_243 = tpu.vector_load %arg9[%get3A_241, %get3A_242] {strides = array<i32>} : memref<144x256xf32, #tpu.memory_space<vmem>>, vector<1x16xf32>,
      %get3A_244 = vector.shape_cast %get3A_243 : vector<1x16xf32> to vector<16xf32>
      %sub3A_245 = arith.subf %get3A_240, %get3A_244 : vector<16xf32>
      %add3A_246 = arith.addf %get3A_244, %sub3A_245 : vector<16xf32>
      %swap3A_247 = arith.index_cast %scan3A_16 : i32 to index
      %swap3A_248 = arith.constant 208 : index
      %swap3A_249 = tpu.vector_load %arg8[%swap3A_247, %swap3A_248] {strides = array<i32>} : memref<144x256xf32, #tpu.memory_space<vmem>>, vector<1x16xf32>,
      %swap3A_250 = vector.shape_cast %swap3A_249 : vector<1x16xf32> to vector<16xf32>
      %swap3A_251 = vector.shape_cast %add3A_246 : vector<16xf32> to vector<1x16xf32>
      tpu.vector_store %arg8[%swap3A_247, %swap3A_248], %swap3A_251 {strides = array<i32>} : memref<144x256xf32, #tpu.memory_space<vmem>>, vector<1x16xf32>,
      %mul3A_252 = arith.mulf %sub3A_245, %sub3A_245 : vector<16xf32>
      %add3A_253 = arith.addf %add3A_236, %mul3A_252 : vector<16xf32>
      %get3A_254 = arith.index_cast %scan3A_16 : i32 to index
      %get3A_255 = arith.constant 224 : index
      %get3A_256 = tpu.vector_load %arg8[%get3A_254, %get3A_255] {strides = array<i32>} : memref<144x256xf32, #tpu.memory_space<vmem>>, vector<1x16xf32>,
      %get3A_257 = vector.shape_cast %get3A_256 : vector<1x16xf32> to vector<16xf32>
      %get3A_258 = arith.index_cast %scan3A_16 : i32 to index
      %get3A_259 = arith.constant 224 : index
      %get3A_260 = tpu.vector_load %arg9[%get3A_258, %get3A_259] {strides = array<i32>} : memref<144x256xf32, #tpu.memory_space<vmem>>, vector<1x16xf32>,
      %get3A_261 = vector.shape_cast %get3A_260 : vector<1x16xf32> to vector<16xf32>
      %sub3A_262 = arith.subf %get3A_257, %get3A_261 : vector<16xf32>
      %add3A_263 = arith.addf %get3A_261, %sub3A_262 : vector<16xf32>
      %swap3A_264 = arith.index_cast %scan3A_16 : i32 to index
      %swap3A_265 = arith.constant 224 : index
      %swap3A_266 = tpu.vector_load %arg8[%swap3A_264, %swap3A_265] {strides = array<i32>} : memref<144x256xf32, #tpu.memory_space<vmem>>, vector<1x16xf32>,
      %swap3A_267 = vector.shape_cast %swap3A_266 : vector<1x16xf32> to vector<16xf32>
      %swap3A_268 = vector.shape_cast %add3A_263 : vector<16xf32> to vector<1x16xf32>
      tpu.vector_store %arg8[%swap3A_264, %swap3A_265], %swap3A_268 {strides = array<i32>} : memref<144x256xf32, #tpu.memory_space<vmem>>, vector<1x16xf32>,
      %mul3A_269 = arith.mulf %sub3A_262, %sub3A_262 : vector<16xf32>
      %add3A_270 = arith.addf %add3A_253, %mul3A_269 : vector<16xf32>
      %get3A_271 = arith.index_cast %scan3A_16 : i32 to index
      %get3A_272 = arith.constant 240 : index
      %get3A_273 = tpu.vector_load %arg8[%get3A_271, %get3A_272] {strides = array<i32>} : memref<144x256xf32, #tpu.memory_space<vmem>>, vector<1x16xf32>,
      %get3A_274 = vector.shape_cast %get3A_273 : vector<1x16xf32> to vector<16xf32>
      %get3A_275 = arith.index_cast %scan3A_16 : i32 to index
      %get3A_276 = arith.constant 240 : index
      %get3A_277 = tpu.vector_load %arg9[%get3A_275, %get3A_276] {strides = array<i32>} : memref<144x256xf32, #tpu.memory_space<vmem>>, vector<1x16xf32>,
      %get3A_278 = vector.shape_cast %get3A_277 : vector<1x16xf32> to vector<16xf32>
      %sub3A_279 = arith.subf %get3A_274, %get3A_278 : vector<16xf32>
      %add3A_280 = arith.addf %get3A_278, %sub3A_279 : vector<16xf32>
      %swap3A_281 = arith.index_cast %scan3A_16 : i32 to index
      %swap3A_282 = arith.constant 240 : index
      %swap3A_283 = tpu.vector_load %arg8[%swap3A_281, %swap3A_282] {strides = array<i32>} : memref<144x256xf32, #tpu.memory_space<vmem>>, vector<1x16xf32>,
      %swap3A_284 = vector.shape_cast %swap3A_283 : vector<1x16xf32> to vector<16xf32>
      %swap3A_285 = vector.shape_cast %add3A_280 : vector<16xf32> to vector<1x16xf32>
      tpu.vector_store %arg8[%swap3A_281, %swap3A_282], %swap3A_285 {strides = array<i32>} : memref<144x256xf32, #tpu.memory_space<vmem>>, vector<1x16xf32>,
      %mul3A_286 = arith.mulf %sub3A_279, %sub3A_279 : vector<16xf32>
      %add3A_287 = arith.addf %add3A_270, %mul3A_286 : vector<16xf32>
      scf.yield %add3A_287 : vector<16xf32>
    }
    %scan3A_12 = arith.constant 144 : i32
    %swap3A = arith.constant 0 : index
    %swap3A_13 = tpu.vector_load %arg10[%swap3A] {strides = array<i32>} : memref<16xf32, #tpu.memory_space<vmem>>, vector<16xf32>,
    %swap3A_14 = vector.shape_cast %swap3A_13 : vector<16xf32> to vector<16xf32>
    %swap3A_15 = vector.shape_cast %scan3A_11 : vector<16xf32> to vector<16xf32>
    tpu.vector_store %arg10[%swap3A], %swap3A_15 {strides = array<i32>} : memref<16xf32, #tpu.memory_space<vmem>>, vector<16xf32>,
    "tpu.region"() ({
      %run_scoped3A = tpu.sem_alloc : memref<!tpu.dma_semaphore, #tpu.memory_space<semaphore_mem>>
      %dma_start3A_16 = arith.constant 0 : i32
      %dma_start3A_17 = tpu.memref_slice %arg5[%mul3A_2, %dma_start3A_16] : memref<4608x256xf32, #tpu.memory_space<hbm>> -> memref<144x256xf32, #tpu.memory_space<hbm>>
      %dma_start3A_18 = arith.constant 0 : i32
      %dma_start3A_19 = tpu.memref_slice %arg5[%mul3A_2, %dma_start3A_18] : memref<4608x256xf32, #tpu.memory_space<hbm>> -> memref<144x256xf32, #tpu.memory_space<hbm>>
      tpu.enqueue_dma source(%arg8 : memref<144x256xf32, #tpu.memory_space<vmem>>) target(%dma_start3A_19 : memref<144x256xf32, #tpu.memory_space<hbm>>) target_semaphore(%run_scoped3A : memref<!tpu.dma_semaphore, #tpu.memory_space<semaphore_mem>>)
      %dma_wait3A_20 = arith.constant 0 : i32
      %dma_wait3A_21 = tpu.memref_slice %arg5[%mul3A_2, %dma_wait3A_20] : memref<4608x256xf32, #tpu.memory_space<hbm>> -> memref<144x256xf32, #tpu.memory_space<hbm>>
      %dma_wait3A_22 = arith.constant 0 : i32
      %dma_wait3A_23 = tpu.memref_slice %arg5[%mul3A_2, %dma_wait3A_22] : memref<4608x256xf32, #tpu.memory_space<hbm>> -> memref<144x256xf32, #tpu.memory_space<hbm>>
      tpu.wait_dma2 semaphore(%run_scoped3A : memref<!tpu.dma_semaphore, #tpu.memory_space<semaphore_mem>>) src(%arg8 : memref<144x256xf32, #tpu.memory_space<vmem>>) dst(%dma_wait3A_23 : memref<144x256xf32, #tpu.memory_space<hbm>>)
      tpu.yield
    }) : () -> ()
    "tpu.region"() ({
      %run_scoped3A = tpu.sem_alloc : memref<!tpu.dma_semaphore, #tpu.memory_space<semaphore_mem>>
      %dma_start3A_16 = arith.constant 0 : i32
      %dma_start3A_17 = tpu.memref_slice %arg6[%add3A, %dma_start3A_16] : memref<32x16xf32, #tpu.memory_space<hbm>> -> memref<1x16xf32, #tpu.memory_space<hbm>>
      %dma_start3A_18 = tpu.memref_squeeze %dma_start3A_17 : memref<1x16xf32, #tpu.memory_space<hbm>> -> memref<16xf32, #tpu.memory_space<hbm>>
      %dma_start3A_19 = arith.constant 0 : i32
      %dma_start3A_20 = tpu.memref_slice %arg6[%add3A, %dma_start3A_19] : memref<32x16xf32, #tpu.memory_space<hbm>> -> memref<1x16xf32, #tpu.memory_space<hbm>>
      %dma_start3A_21 = tpu.memref_squeeze %dma_start3A_20 : memref<1x16xf32, #tpu.memory_space<hbm>> -> memref<16xf32, #tpu.memory_space<hbm>>
      tpu.enqueue_dma source(%arg10 : memref<16xf32, #tpu.memory_space<vmem>>) target(%dma_start3A_21 : memref<16xf32, #tpu.memory_space<hbm>>) target_semaphore(%run_scoped3A : memref<!tpu.dma_semaphore, #tpu.memory_space<semaphore_mem>>)
      %dma_wait3A_22 = arith.constant 0 : i32
      %dma_wait3A_23 = tpu.memref_slice %arg6[%add3A, %dma_wait3A_22] : memref<32x16xf32, #tpu.memory_space<hbm>> -> memref<1x16xf32, #tpu.memory_space<hbm>>
      %dma_wait3A_24 = tpu.memref_squeeze %dma_wait3A_23 : memref<1x16xf32, #tpu.memory_space<hbm>> -> memref<16xf32, #tpu.memory_space<hbm>>
      %dma_wait3A_25 = arith.constant 0 : i32
      %dma_wait3A_26 = tpu.memref_slice %arg6[%add3A, %dma_wait3A_25] : memref<32x16xf32, #tpu.memory_space<hbm>> -> memref<1x16xf32, #tpu.memory_space<hbm>>
      %dma_wait3A_27 = tpu.memref_squeeze %dma_wait3A_26 : memref<1x16xf32, #tpu.memory_space<hbm>> -> memref<16xf32, #tpu.memory_space<hbm>>
      tpu.wait_dma2 semaphore(%run_scoped3A : memref<!tpu.dma_semaphore, #tpu.memory_space<semaphore_mem>>) src(%arg10 : memref<16xf32, #tpu.memory_space<vmem>>) dst(%dma_wait3A_27 : memref<16xf32, #tpu.memory_space<hbm>>)
      tpu.yield
    }) : () -> ()
    return
  }
}

module attributes {stable_mosaic.version = 14 : i64} {
  func.func @_k1_body(%arg0: i32, %arg1: memref<1x256x256xf32, #tpu.memory_space<vmem>>, %arg2: memref<8192x256xf32, #tpu.memory_space<vmem>>, %arg3: memref<1x256x1xf32, #tpu.memory_space<vmem>>, %arg4: memref<1x8192xf32, #tpu.memory_space<vmem>>, %arg5: memref<1x1x256xi32, #tpu.memory_space<vmem>>, %arg6: memref<18x256x8192xf32, #tpu.memory_space<any>>, %arg7: memref<8x64x8192xf32, #tpu.memory_space<vmem>>, %arg8: memref<8x!tpu.dma_semaphore, #tpu.memory_space<semaphore_mem>>) attributes {dimension_semantics = [#tpu.dimension_semantics<arbitrary>], iteration_bounds = array<i64: 18>, scalar_prefetch = 0 : i64, scratch_operands = 2 : i64, tpu.core_type = #tpu.core_type<tc>, window_params = [{transform_indices = @transform_0, window_bounds = array<i64: 1, 256, 256>}, {pipeline_mode = #tpu.pipeline_mode<synchronous>, transform_indices = @transform_1, window_bounds = array<i64: 8192, 256>}, {transform_indices = @transform_2, window_bounds = array<i64: 1, 256, 1>}, {pipeline_mode = #tpu.pipeline_mode<synchronous>, transform_indices = @transform_3, window_bounds = array<i64: 1, 8192>}, {transform_indices = @transform_4, window_bounds = array<i64: 1, 1, 256>}, {}]} {
    %get3A = arith.constant 0 : index
    %get3A_0 = arith.constant 0 : index
    %get3A_1 = arith.constant 0 : index
    %get3A_2 = vector.load %arg1[%get3A, %get3A_0, %get3A_1] : memref<1x256x256xf32, #tpu.memory_space<vmem>>, vector<1x256x256xf32>
    %get3A_3 = vector.shape_cast %get3A_2 : vector<1x256x256xf32> to vector<256x256xf32>
    %get3A_4 = arith.constant 0 : index
    %get3A_5 = arith.constant 0 : index
    %get3A_6 = arith.constant 0 : index
    %get3A_7 = vector.load %arg3[%get3A_4, %get3A_5, %get3A_6] : memref<1x256x1xf32, #tpu.memory_space<vmem>>, vector<1x256x1xf32>
    %get3A_8 = vector.shape_cast %get3A_7 : vector<1x256x1xf32> to vector<256x1xf32>
    %add3A = arith.addf %get3A_3, %get3A_3 : vector<256x256xf32>
    %iota3A = tpu.iota {dimensions = array<i32: 1>} : vector<256x512xi32>
    %convert_element_type3A = arith.sitofp %iota3A : vector<256x512xi32> to vector<256x512xf32>
    %broadcast_in_dim3A = arith.constant 0x7F800000 : f32
    %broadcast_in_dim3A_9 = vector.broadcast %broadcast_in_dim3A : f32 to vector<256x1xf32>
    %broadcast_in_dim3A_10 = arith.constant 0.000000e+00 : f32
    %broadcast_in_dim3A_11 = vector.broadcast %broadcast_in_dim3A_10 : f32 to vector<256x1xf32>
    %get3A_12 = arith.constant 0 : index
    %get3A_13 = arith.constant 0 : index
    %get3A_14 = vector.load %arg2[%get3A_12, %get3A_13] : memref<8192x256xf32, #tpu.memory_space<vmem>>, vector<512x256xf32>
    %get3A_15 = arith.constant 0 : index
    %get3A_16 = arith.constant 0 : index
    %get3A_17 = vector.load %arg4[%get3A_15, %get3A_16] : memref<1x8192xf32, #tpu.memory_space<vmem>>, vector<1x512xf32>
    %get3A_18 = vector.shape_cast %get3A_17 : vector<1x512xf32> to vector<512xf32>
    %dot_general3A = arith.constant dense<0.000000e+00> : vector<256x512xf32>
    %dot_general3A_19 = tpu.matmul %add3A, %get3A_14, %dot_general3A {dimension_numbers = #tpu.dot_dimension_numbers<[1], [1], [0], [0], [0, 0, 1, 0], [], []>, transpose_lhs_hint = false} : vector<256x256xf32>, vector<512x256xf32>, vector<256x512xf32> -> vector<256x512xf32>
    %broadcast_in_dim3A_20 = vector.shape_cast %get3A_18 : vector<512xf32> to vector<1x512xf32>
    %add3A_21 = vector.broadcast %get3A_8 : vector<256x1xf32> to vector<256x512xf32>
    %add3A_22 = vector.broadcast %broadcast_in_dim3A_20 : vector<1x512xf32> to vector<256x512xf32>
    %add3A_23 = arith.addf %add3A_21, %add3A_22 : vector<256x512xf32>
    %sub3A = arith.subf %add3A_23, %dot_general3A_19 : vector<256x512xf32>
    %reduce_min3A = arith.constant dense<0x7F800000> : vector<256xf32>
    %reduce_min3A_24 = vector.multi_reduction <minimumf>, %sub3A, %reduce_min3A [1] : vector<256x512xf32> to vector<256xf32>
    %broadcast_in_dim3A_25 = vector.shape_cast %reduce_min3A_24 : vector<256xf32> to vector<256x1xf32>
    %eq3A = vector.broadcast %broadcast_in_dim3A_25 : vector<256x1xf32> to vector<256x512xf32>
    %eq3A_26 = arith.cmpf oeq, %sub3A, %eq3A : vector<256x512xf32>
    %jit3A = arith.constant 5.120000e+02 : f32
    %broadcast_in_dim3A_27 = vector.broadcast %jit3A : f32 to vector<256x512xf32>
    %select_n3A = arith.select %eq3A_26, %convert_element_type3A, %broadcast_in_dim3A_27 : vector<256x512xi1>, vector<256x512xf32>
    %reduce_min3A_28 = arith.constant dense<0x7F800000> : vector<256xf32>
    %reduce_min3A_29 = vector.multi_reduction <minimumf>, %select_n3A, %reduce_min3A_28 [1] : vector<256x512xf32> to vector<256xf32>
    %broadcast_in_dim3A_30 = vector.shape_cast %reduce_min3A_29 : vector<256xf32> to vector<256x1xf32>
    %lt3A = arith.cmpf olt, %broadcast_in_dim3A_25, %broadcast_in_dim3A_9 : vector<256x1xf32>
    %select_n3A_31 = arith.select %lt3A, %broadcast_in_dim3A_25, %broadcast_in_dim3A_9 : vector<256x1xi1>, vector<256x1xf32>
    %add3A_32 = arith.constant 0.000000e+00 : f32
    %add3A_33 = vector.broadcast %add3A_32 : f32 to vector<256x1xf32>
    %add3A_34 = arith.addf %broadcast_in_dim3A_30, %add3A_33 : vector<256x1xf32>
    %select_n3A_35 = arith.select %lt3A, %add3A_34, %broadcast_in_dim3A_11 : vector<256x1xi1>, vector<256x1xf32>
    %get3A_36 = arith.constant 512 : index
    %get3A_37 = arith.constant 0 : index
    %get3A_38 = vector.load %arg2[%get3A_36, %get3A_37] : memref<8192x256xf32, #tpu.memory_space<vmem>>, vector<512x256xf32>
    %get3A_39 = arith.constant 0 : index
    %get3A_40 = arith.constant 512 : index
    %get3A_41 = vector.load %arg4[%get3A_39, %get3A_40] : memref<1x8192xf32, #tpu.memory_space<vmem>>, vector<1x512xf32>
    %get3A_42 = vector.shape_cast %get3A_41 : vector<1x512xf32> to vector<512xf32>
    %dot_general3A_43 = arith.constant dense<0.000000e+00> : vector<256x512xf32>
    %dot_general3A_44 = tpu.matmul %add3A, %get3A_38, %dot_general3A_43 {dimension_numbers = #tpu.dot_dimension_numbers<[1], [1], [0], [0], [0, 0, 1, 0], [], []>, transpose_lhs_hint = false} : vector<256x256xf32>, vector<512x256xf32>, vector<256x512xf32> -> vector<256x512xf32>
    %broadcast_in_dim3A_45 = vector.shape_cast %get3A_42 : vector<512xf32> to vector<1x512xf32>
    %add3A_46 = vector.broadcast %get3A_8 : vector<256x1xf32> to vector<256x512xf32>
    %add3A_47 = vector.broadcast %broadcast_in_dim3A_45 : vector<1x512xf32> to vector<256x512xf32>
    %add3A_48 = arith.addf %add3A_46, %add3A_47 : vector<256x512xf32>
    %sub3A_49 = arith.subf %add3A_48, %dot_general3A_44 : vector<256x512xf32>
    %reduce_min3A_50 = arith.constant dense<0x7F800000> : vector<256xf32>
    %reduce_min3A_51 = vector.multi_reduction <minimumf>, %sub3A_49, %reduce_min3A_50 [1] : vector<256x512xf32> to vector<256xf32>
    %broadcast_in_dim3A_52 = vector.shape_cast %reduce_min3A_51 : vector<256xf32> to vector<256x1xf32>
    %eq3A_53 = vector.broadcast %broadcast_in_dim3A_52 : vector<256x1xf32> to vector<256x512xf32>
    %eq3A_54 = arith.cmpf oeq, %sub3A_49, %eq3A_53 : vector<256x512xf32>
    %jit3A_55 = arith.constant 5.120000e+02 : f32
    %broadcast_in_dim3A_56 = vector.broadcast %jit3A_55 : f32 to vector<256x512xf32>
    %select_n3A_57 = arith.select %eq3A_54, %convert_element_type3A, %broadcast_in_dim3A_56 : vector<256x512xi1>, vector<256x512xf32>
    %reduce_min3A_58 = arith.constant dense<0x7F800000> : vector<256xf32>
    %reduce_min3A_59 = vector.multi_reduction <minimumf>, %select_n3A_57, %reduce_min3A_58 [1] : vector<256x512xf32> to vector<256xf32>
    %broadcast_in_dim3A_60 = vector.shape_cast %reduce_min3A_59 : vector<256xf32> to vector<256x1xf32>
    %lt3A_61 = arith.cmpf olt, %broadcast_in_dim3A_52, %select_n3A_31 : vector<256x1xf32>
    %select_n3A_62 = arith.select %lt3A_61, %broadcast_in_dim3A_52, %select_n3A_31 : vector<256x1xi1>, vector<256x1xf32>
    %add3A_63 = arith.constant 5.120000e+02 : f32
    %add3A_64 = vector.broadcast %add3A_63 : f32 to vector<256x1xf32>
    %add3A_65 = arith.addf %broadcast_in_dim3A_60, %add3A_64 : vector<256x1xf32>
    %select_n3A_66 = arith.select %lt3A_61, %add3A_65, %select_n3A_35 : vector<256x1xi1>, vector<256x1xf32>
    %get3A_67 = arith.constant 1024 : index
    %get3A_68 = arith.constant 0 : index
    %get3A_69 = vector.load %arg2[%get3A_67, %get3A_68] : memref<8192x256xf32, #tpu.memory_space<vmem>>, vector<512x256xf32>
    %get3A_70 = arith.constant 0 : index
    %get3A_71 = arith.constant 1024 : index
    %get3A_72 = vector.load %arg4[%get3A_70, %get3A_71] : memref<1x8192xf32, #tpu.memory_space<vmem>>, vector<1x512xf32>
    %get3A_73 = vector.shape_cast %get3A_72 : vector<1x512xf32> to vector<512xf32>
    %dot_general3A_74 = arith.constant dense<0.000000e+00> : vector<256x512xf32>
    %dot_general3A_75 = tpu.matmul %add3A, %get3A_69, %dot_general3A_74 {dimension_numbers = #tpu.dot_dimension_numbers<[1], [1], [0], [0], [0, 0, 1, 0], [], []>, transpose_lhs_hint = false} : vector<256x256xf32>, vector<512x256xf32>, vector<256x512xf32> -> vector<256x512xf32>
    %broadcast_in_dim3A_76 = vector.shape_cast %get3A_73 : vector<512xf32> to vector<1x512xf32>
    %add3A_77 = vector.broadcast %get3A_8 : vector<256x1xf32> to vector<256x512xf32>
    %add3A_78 = vector.broadcast %broadcast_in_dim3A_76 : vector<1x512xf32> to vector<256x512xf32>
    %add3A_79 = arith.addf %add3A_77, %add3A_78 : vector<256x512xf32>
    %sub3A_80 = arith.subf %add3A_79, %dot_general3A_75 : vector<256x512xf32>
    %reduce_min3A_81 = arith.constant dense<0x7F800000> : vector<256xf32>
    %reduce_min3A_82 = vector.multi_reduction <minimumf>, %sub3A_80, %reduce_min3A_81 [1] : vector<256x512xf32> to vector<256xf32>
    %broadcast_in_dim3A_83 = vector.shape_cast %reduce_min3A_82 : vector<256xf32> to vector<256x1xf32>
    %eq3A_84 = vector.broadcast %broadcast_in_dim3A_83 : vector<256x1xf32> to vector<256x512xf32>
    %eq3A_85 = arith.cmpf oeq, %sub3A_80, %eq3A_84 : vector<256x512xf32>
    %jit3A_86 = arith.constant 5.120000e+02 : f32
    %broadcast_in_dim3A_87 = vector.broadcast %jit3A_86 : f32 to vector<256x512xf32>
    %select_n3A_88 = arith.select %eq3A_85, %convert_element_type3A, %broadcast_in_dim3A_87 : vector<256x512xi1>, vector<256x512xf32>
    %reduce_min3A_89 = arith.constant dense<0x7F800000> : vector<256xf32>
    %reduce_min3A_90 = vector.multi_reduction <minimumf>, %select_n3A_88, %reduce_min3A_89 [1] : vector<256x512xf32> to vector<256xf32>
    %broadcast_in_dim3A_91 = vector.shape_cast %reduce_min3A_90 : vector<256xf32> to vector<256x1xf32>
    %lt3A_92 = arith.cmpf olt, %broadcast_in_dim3A_83, %select_n3A_62 : vector<256x1xf32>
    %select_n3A_93 = arith.select %lt3A_92, %broadcast_in_dim3A_83, %select_n3A_62 : vector<256x1xi1>, vector<256x1xf32>
    %add3A_94 = arith.constant 1.024000e+03 : f32
    %add3A_95 = vector.broadcast %add3A_94 : f32 to vector<256x1xf32>
    %add3A_96 = arith.addf %broadcast_in_dim3A_91, %add3A_95 : vector<256x1xf32>
    %select_n3A_97 = arith.select %lt3A_92, %add3A_96, %select_n3A_66 : vector<256x1xi1>, vector<256x1xf32>
    %get3A_98 = arith.constant 1536 : index
    %get3A_99 = arith.constant 0 : index
    %get3A_100 = vector.load %arg2[%get3A_98, %get3A_99] : memref<8192x256xf32, #tpu.memory_space<vmem>>, vector<512x256xf32>
    %get3A_101 = arith.constant 0 : index
    %get3A_102 = arith.constant 1536 : index
    %get3A_103 = vector.load %arg4[%get3A_101, %get3A_102] : memref<1x8192xf32, #tpu.memory_space<vmem>>, vector<1x512xf32>
    %get3A_104 = vector.shape_cast %get3A_103 : vector<1x512xf32> to vector<512xf32>
    %dot_general3A_105 = arith.constant dense<0.000000e+00> : vector<256x512xf32>
    %dot_general3A_106 = tpu.matmul %add3A, %get3A_100, %dot_general3A_105 {dimension_numbers = #tpu.dot_dimension_numbers<[1], [1], [0], [0], [0, 0, 1, 0], [], []>, transpose_lhs_hint = false} : vector<256x256xf32>, vector<512x256xf32>, vector<256x512xf32> -> vector<256x512xf32>
    %broadcast_in_dim3A_107 = vector.shape_cast %get3A_104 : vector<512xf32> to vector<1x512xf32>
    %add3A_108 = vector.broadcast %get3A_8 : vector<256x1xf32> to vector<256x512xf32>
    %add3A_109 = vector.broadcast %broadcast_in_dim3A_107 : vector<1x512xf32> to vector<256x512xf32>
    %add3A_110 = arith.addf %add3A_108, %add3A_109 : vector<256x512xf32>
    %sub3A_111 = arith.subf %add3A_110, %dot_general3A_106 : vector<256x512xf32>
    %reduce_min3A_112 = arith.constant dense<0x7F800000> : vector<256xf32>
    %reduce_min3A_113 = vector.multi_reduction <minimumf>, %sub3A_111, %reduce_min3A_112 [1] : vector<256x512xf32> to vector<256xf32>
    %broadcast_in_dim3A_114 = vector.shape_cast %reduce_min3A_113 : vector<256xf32> to vector<256x1xf32>
    %eq3A_115 = vector.broadcast %broadcast_in_dim3A_114 : vector<256x1xf32> to vector<256x512xf32>
    %eq3A_116 = arith.cmpf oeq, %sub3A_111, %eq3A_115 : vector<256x512xf32>
    %jit3A_117 = arith.constant 5.120000e+02 : f32
    %broadcast_in_dim3A_118 = vector.broadcast %jit3A_117 : f32 to vector<256x512xf32>
    %select_n3A_119 = arith.select %eq3A_116, %convert_element_type3A, %broadcast_in_dim3A_118 : vector<256x512xi1>, vector<256x512xf32>
    %reduce_min3A_120 = arith.constant dense<0x7F800000> : vector<256xf32>
    %reduce_min3A_121 = vector.multi_reduction <minimumf>, %select_n3A_119, %reduce_min3A_120 [1] : vector<256x512xf32> to vector<256xf32>
    %broadcast_in_dim3A_122 = vector.shape_cast %reduce_min3A_121 : vector<256xf32> to vector<256x1xf32>
    %lt3A_123 = arith.cmpf olt, %broadcast_in_dim3A_114, %select_n3A_93 : vector<256x1xf32>
    %select_n3A_124 = arith.select %lt3A_123, %broadcast_in_dim3A_114, %select_n3A_93 : vector<256x1xi1>, vector<256x1xf32>
    %add3A_125 = arith.constant 1.536000e+03 : f32
    %add3A_126 = vector.broadcast %add3A_125 : f32 to vector<256x1xf32>
    %add3A_127 = arith.addf %broadcast_in_dim3A_122, %add3A_126 : vector<256x1xf32>
    %select_n3A_128 = arith.select %lt3A_123, %add3A_127, %select_n3A_97 : vector<256x1xi1>, vector<256x1xf32>
    %get3A_129 = arith.constant 2048 : index
    %get3A_130 = arith.constant 0 : index
    %get3A_131 = vector.load %arg2[%get3A_129, %get3A_130] : memref<8192x256xf32, #tpu.memory_space<vmem>>, vector<512x256xf32>
    %get3A_132 = arith.constant 0 : index
    %get3A_133 = arith.constant 2048 : index
    %get3A_134 = vector.load %arg4[%get3A_132, %get3A_133] : memref<1x8192xf32, #tpu.memory_space<vmem>>, vector<1x512xf32>
    %get3A_135 = vector.shape_cast %get3A_134 : vector<1x512xf32> to vector<512xf32>
    %dot_general3A_136 = arith.constant dense<0.000000e+00> : vector<256x512xf32>
    %dot_general3A_137 = tpu.matmul %add3A, %get3A_131, %dot_general3A_136 {dimension_numbers = #tpu.dot_dimension_numbers<[1], [1], [0], [0], [0, 0, 1, 0], [], []>, transpose_lhs_hint = false} : vector<256x256xf32>, vector<512x256xf32>, vector<256x512xf32> -> vector<256x512xf32>
    %broadcast_in_dim3A_138 = vector.shape_cast %get3A_135 : vector<512xf32> to vector<1x512xf32>
    %add3A_139 = vector.broadcast %get3A_8 : vector<256x1xf32> to vector<256x512xf32>
    %add3A_140 = vector.broadcast %broadcast_in_dim3A_138 : vector<1x512xf32> to vector<256x512xf32>
    %add3A_141 = arith.addf %add3A_139, %add3A_140 : vector<256x512xf32>
    %sub3A_142 = arith.subf %add3A_141, %dot_general3A_137 : vector<256x512xf32>
    %reduce_min3A_143 = arith.constant dense<0x7F800000> : vector<256xf32>
    %reduce_min3A_144 = vector.multi_reduction <minimumf>, %sub3A_142, %reduce_min3A_143 [1] : vector<256x512xf32> to vector<256xf32>
    %broadcast_in_dim3A_145 = vector.shape_cast %reduce_min3A_144 : vector<256xf32> to vector<256x1xf32>
    %eq3A_146 = vector.broadcast %broadcast_in_dim3A_145 : vector<256x1xf32> to vector<256x512xf32>
    %eq3A_147 = arith.cmpf oeq, %sub3A_142, %eq3A_146 : vector<256x512xf32>
    %jit3A_148 = arith.constant 5.120000e+02 : f32
    %broadcast_in_dim3A_149 = vector.broadcast %jit3A_148 : f32 to vector<256x512xf32>
    %select_n3A_150 = arith.select %eq3A_147, %convert_element_type3A, %broadcast_in_dim3A_149 : vector<256x512xi1>, vector<256x512xf32>
    %reduce_min3A_151 = arith.constant dense<0x7F800000> : vector<256xf32>
    %reduce_min3A_152 = vector.multi_reduction <minimumf>, %select_n3A_150, %reduce_min3A_151 [1] : vector<256x512xf32> to vector<256xf32>
    %broadcast_in_dim3A_153 = vector.shape_cast %reduce_min3A_152 : vector<256xf32> to vector<256x1xf32>
    %lt3A_154 = arith.cmpf olt, %broadcast_in_dim3A_145, %select_n3A_124 : vector<256x1xf32>
    %select_n3A_155 = arith.select %lt3A_154, %broadcast_in_dim3A_145, %select_n3A_124 : vector<256x1xi1>, vector<256x1xf32>
    %add3A_156 = arith.constant 2.048000e+03 : f32
    %add3A_157 = vector.broadcast %add3A_156 : f32 to vector<256x1xf32>
    %add3A_158 = arith.addf %broadcast_in_dim3A_153, %add3A_157 : vector<256x1xf32>
    %select_n3A_159 = arith.select %lt3A_154, %add3A_158, %select_n3A_128 : vector<256x1xi1>, vector<256x1xf32>
    %get3A_160 = arith.constant 2560 : index
    %get3A_161 = arith.constant 0 : index
    %get3A_162 = vector.load %arg2[%get3A_160, %get3A_161] : memref<8192x256xf32, #tpu.memory_space<vmem>>, vector<512x256xf32>
    %get3A_163 = arith.constant 0 : index
    %get3A_164 = arith.constant 2560 : index
    %get3A_165 = vector.load %arg4[%get3A_163, %get3A_164] : memref<1x8192xf32, #tpu.memory_space<vmem>>, vector<1x512xf32>
    %get3A_166 = vector.shape_cast %get3A_165 : vector<1x512xf32> to vector<512xf32>
    %dot_general3A_167 = arith.constant dense<0.000000e+00> : vector<256x512xf32>
    %dot_general3A_168 = tpu.matmul %add3A, %get3A_162, %dot_general3A_167 {dimension_numbers = #tpu.dot_dimension_numbers<[1], [1], [0], [0], [0, 0, 1, 0], [], []>, transpose_lhs_hint = false} : vector<256x256xf32>, vector<512x256xf32>, vector<256x512xf32> -> vector<256x512xf32>
    %broadcast_in_dim3A_169 = vector.shape_cast %get3A_166 : vector<512xf32> to vector<1x512xf32>
    %add3A_170 = vector.broadcast %get3A_8 : vector<256x1xf32> to vector<256x512xf32>
    %add3A_171 = vector.broadcast %broadcast_in_dim3A_169 : vector<1x512xf32> to vector<256x512xf32>
    %add3A_172 = arith.addf %add3A_170, %add3A_171 : vector<256x512xf32>
    %sub3A_173 = arith.subf %add3A_172, %dot_general3A_168 : vector<256x512xf32>
    %reduce_min3A_174 = arith.constant dense<0x7F800000> : vector<256xf32>
    %reduce_min3A_175 = vector.multi_reduction <minimumf>, %sub3A_173, %reduce_min3A_174 [1] : vector<256x512xf32> to vector<256xf32>
    %broadcast_in_dim3A_176 = vector.shape_cast %reduce_min3A_175 : vector<256xf32> to vector<256x1xf32>
    %eq3A_177 = vector.broadcast %broadcast_in_dim3A_176 : vector<256x1xf32> to vector<256x512xf32>
    %eq3A_178 = arith.cmpf oeq, %sub3A_173, %eq3A_177 : vector<256x512xf32>
    %jit3A_179 = arith.constant 5.120000e+02 : f32
    %broadcast_in_dim3A_180 = vector.broadcast %jit3A_179 : f32 to vector<256x512xf32>
    %select_n3A_181 = arith.select %eq3A_178, %convert_element_type3A, %broadcast_in_dim3A_180 : vector<256x512xi1>, vector<256x512xf32>
    %reduce_min3A_182 = arith.constant dense<0x7F800000> : vector<256xf32>
    %reduce_min3A_183 = vector.multi_reduction <minimumf>, %select_n3A_181, %reduce_min3A_182 [1] : vector<256x512xf32> to vector<256xf32>
    %broadcast_in_dim3A_184 = vector.shape_cast %reduce_min3A_183 : vector<256xf32> to vector<256x1xf32>
    %lt3A_185 = arith.cmpf olt, %broadcast_in_dim3A_176, %select_n3A_155 : vector<256x1xf32>
    %select_n3A_186 = arith.select %lt3A_185, %broadcast_in_dim3A_176, %select_n3A_155 : vector<256x1xi1>, vector<256x1xf32>
    %add3A_187 = arith.constant 2.560000e+03 : f32
    %add3A_188 = vector.broadcast %add3A_187 : f32 to vector<256x1xf32>
    %add3A_189 = arith.addf %broadcast_in_dim3A_184, %add3A_188 : vector<256x1xf32>
    %select_n3A_190 = arith.select %lt3A_185, %add3A_189, %select_n3A_159 : vector<256x1xi1>, vector<256x1xf32>
    %get3A_191 = arith.constant 3072 : index
    %get3A_192 = arith.constant 0 : index
    %get3A_193 = vector.load %arg2[%get3A_191, %get3A_192] : memref<8192x256xf32, #tpu.memory_space<vmem>>, vector<512x256xf32>
    %get3A_194 = arith.constant 0 : index
    %get3A_195 = arith.constant 3072 : index
    %get3A_196 = vector.load %arg4[%get3A_194, %get3A_195] : memref<1x8192xf32, #tpu.memory_space<vmem>>, vector<1x512xf32>
    %get3A_197 = vector.shape_cast %get3A_196 : vector<1x512xf32> to vector<512xf32>
    %dot_general3A_198 = arith.constant dense<0.000000e+00> : vector<256x512xf32>
    %dot_general3A_199 = tpu.matmul %add3A, %get3A_193, %dot_general3A_198 {dimension_numbers = #tpu.dot_dimension_numbers<[1], [1], [0], [0], [0, 0, 1, 0], [], []>, transpose_lhs_hint = false} : vector<256x256xf32>, vector<512x256xf32>, vector<256x512xf32> -> vector<256x512xf32>
    %broadcast_in_dim3A_200 = vector.shape_cast %get3A_197 : vector<512xf32> to vector<1x512xf32>
    %add3A_201 = vector.broadcast %get3A_8 : vector<256x1xf32> to vector<256x512xf32>
    %add3A_202 = vector.broadcast %broadcast_in_dim3A_200 : vector<1x512xf32> to vector<256x512xf32>
    %add3A_203 = arith.addf %add3A_201, %add3A_202 : vector<256x512xf32>
    %sub3A_204 = arith.subf %add3A_203, %dot_general3A_199 : vector<256x512xf32>
    %reduce_min3A_205 = arith.constant dense<0x7F800000> : vector<256xf32>
    %reduce_min3A_206 = vector.multi_reduction <minimumf>, %sub3A_204, %reduce_min3A_205 [1] : vector<256x512xf32> to vector<256xf32>
    %broadcast_in_dim3A_207 = vector.shape_cast %reduce_min3A_206 : vector<256xf32> to vector<256x1xf32>
    %eq3A_208 = vector.broadcast %broadcast_in_dim3A_207 : vector<256x1xf32> to vector<256x512xf32>
    %eq3A_209 = arith.cmpf oeq, %sub3A_204, %eq3A_208 : vector<256x512xf32>
    %jit3A_210 = arith.constant 5.120000e+02 : f32
    %broadcast_in_dim3A_211 = vector.broadcast %jit3A_210 : f32 to vector<256x512xf32>
    %select_n3A_212 = arith.select %eq3A_209, %convert_element_type3A, %broadcast_in_dim3A_211 : vector<256x512xi1>, vector<256x512xf32>
    %reduce_min3A_213 = arith.constant dense<0x7F800000> : vector<256xf32>
    %reduce_min3A_214 = vector.multi_reduction <minimumf>, %select_n3A_212, %reduce_min3A_213 [1] : vector<256x512xf32> to vector<256xf32>
    %broadcast_in_dim3A_215 = vector.shape_cast %reduce_min3A_214 : vector<256xf32> to vector<256x1xf32>
    %lt3A_216 = arith.cmpf olt, %broadcast_in_dim3A_207, %select_n3A_186 : vector<256x1xf32>
    %select_n3A_217 = arith.select %lt3A_216, %broadcast_in_dim3A_207, %select_n3A_186 : vector<256x1xi1>, vector<256x1xf32>
    %add3A_218 = arith.constant 3.072000e+03 : f32
    %add3A_219 = vector.broadcast %add3A_218 : f32 to vector<256x1xf32>
    %add3A_220 = arith.addf %broadcast_in_dim3A_215, %add3A_219 : vector<256x1xf32>
    %select_n3A_221 = arith.select %lt3A_216, %add3A_220, %select_n3A_190 : vector<256x1xi1>, vector<256x1xf32>
    %get3A_222 = arith.constant 3584 : index
    %get3A_223 = arith.constant 0 : index
    %get3A_224 = vector.load %arg2[%get3A_222, %get3A_223] : memref<8192x256xf32, #tpu.memory_space<vmem>>, vector<512x256xf32>
    %get3A_225 = arith.constant 0 : index
    %get3A_226 = arith.constant 3584 : index
    %get3A_227 = vector.load %arg4[%get3A_225, %get3A_226] : memref<1x8192xf32, #tpu.memory_space<vmem>>, vector<1x512xf32>
    %get3A_228 = vector.shape_cast %get3A_227 : vector<1x512xf32> to vector<512xf32>
    %dot_general3A_229 = arith.constant dense<0.000000e+00> : vector<256x512xf32>
    %dot_general3A_230 = tpu.matmul %add3A, %get3A_224, %dot_general3A_229 {dimension_numbers = #tpu.dot_dimension_numbers<[1], [1], [0], [0], [0, 0, 1, 0], [], []>, transpose_lhs_hint = false} : vector<256x256xf32>, vector<512x256xf32>, vector<256x512xf32> -> vector<256x512xf32>
    %broadcast_in_dim3A_231 = vector.shape_cast %get3A_228 : vector<512xf32> to vector<1x512xf32>
    %add3A_232 = vector.broadcast %get3A_8 : vector<256x1xf32> to vector<256x512xf32>
    %add3A_233 = vector.broadcast %broadcast_in_dim3A_231 : vector<1x512xf32> to vector<256x512xf32>
    %add3A_234 = arith.addf %add3A_232, %add3A_233 : vector<256x512xf32>
    %sub3A_235 = arith.subf %add3A_234, %dot_general3A_230 : vector<256x512xf32>
    %reduce_min3A_236 = arith.constant dense<0x7F800000> : vector<256xf32>
    %reduce_min3A_237 = vector.multi_reduction <minimumf>, %sub3A_235, %reduce_min3A_236 [1] : vector<256x512xf32> to vector<256xf32>
    %broadcast_in_dim3A_238 = vector.shape_cast %reduce_min3A_237 : vector<256xf32> to vector<256x1xf32>
    %eq3A_239 = vector.broadcast %broadcast_in_dim3A_238 : vector<256x1xf32> to vector<256x512xf32>
    %eq3A_240 = arith.cmpf oeq, %sub3A_235, %eq3A_239 : vector<256x512xf32>
    %jit3A_241 = arith.constant 5.120000e+02 : f32
    %broadcast_in_dim3A_242 = vector.broadcast %jit3A_241 : f32 to vector<256x512xf32>
    %select_n3A_243 = arith.select %eq3A_240, %convert_element_type3A, %broadcast_in_dim3A_242 : vector<256x512xi1>, vector<256x512xf32>
    %reduce_min3A_244 = arith.constant dense<0x7F800000> : vector<256xf32>
    %reduce_min3A_245 = vector.multi_reduction <minimumf>, %select_n3A_243, %reduce_min3A_244 [1] : vector<256x512xf32> to vector<256xf32>
    %broadcast_in_dim3A_246 = vector.shape_cast %reduce_min3A_245 : vector<256xf32> to vector<256x1xf32>
    %lt3A_247 = arith.cmpf olt, %broadcast_in_dim3A_238, %select_n3A_217 : vector<256x1xf32>
    %select_n3A_248 = arith.select %lt3A_247, %broadcast_in_dim3A_238, %select_n3A_217 : vector<256x1xi1>, vector<256x1xf32>
    %add3A_249 = arith.constant 3.584000e+03 : f32
    %add3A_250 = vector.broadcast %add3A_249 : f32 to vector<256x1xf32>
    %add3A_251 = arith.addf %broadcast_in_dim3A_246, %add3A_250 : vector<256x1xf32>
    %select_n3A_252 = arith.select %lt3A_247, %add3A_251, %select_n3A_221 : vector<256x1xi1>, vector<256x1xf32>
    %get3A_253 = arith.constant 4096 : index
    %get3A_254 = arith.constant 0 : index
    %get3A_255 = vector.load %arg2[%get3A_253, %get3A_254] : memref<8192x256xf32, #tpu.memory_space<vmem>>, vector<512x256xf32>
    %get3A_256 = arith.constant 0 : index
    %get3A_257 = arith.constant 4096 : index
    %get3A_258 = vector.load %arg4[%get3A_256, %get3A_257] : memref<1x8192xf32, #tpu.memory_space<vmem>>, vector<1x512xf32>
    %get3A_259 = vector.shape_cast %get3A_258 : vector<1x512xf32> to vector<512xf32>
    %dot_general3A_260 = arith.constant dense<0.000000e+00> : vector<256x512xf32>
    %dot_general3A_261 = tpu.matmul %add3A, %get3A_255, %dot_general3A_260 {dimension_numbers = #tpu.dot_dimension_numbers<[1], [1], [0], [0], [0, 0, 1, 0], [], []>, transpose_lhs_hint = false} : vector<256x256xf32>, vector<512x256xf32>, vector<256x512xf32> -> vector<256x512xf32>
    %broadcast_in_dim3A_262 = vector.shape_cast %get3A_259 : vector<512xf32> to vector<1x512xf32>
    %add3A_263 = vector.broadcast %get3A_8 : vector<256x1xf32> to vector<256x512xf32>
    %add3A_264 = vector.broadcast %broadcast_in_dim3A_262 : vector<1x512xf32> to vector<256x512xf32>
    %add3A_265 = arith.addf %add3A_263, %add3A_264 : vector<256x512xf32>
    %sub3A_266 = arith.subf %add3A_265, %dot_general3A_261 : vector<256x512xf32>
    %reduce_min3A_267 = arith.constant dense<0x7F800000> : vector<256xf32>
    %reduce_min3A_268 = vector.multi_reduction <minimumf>, %sub3A_266, %reduce_min3A_267 [1] : vector<256x512xf32> to vector<256xf32>
    %broadcast_in_dim3A_269 = vector.shape_cast %reduce_min3A_268 : vector<256xf32> to vector<256x1xf32>
    %eq3A_270 = vector.broadcast %broadcast_in_dim3A_269 : vector<256x1xf32> to vector<256x512xf32>
    %eq3A_271 = arith.cmpf oeq, %sub3A_266, %eq3A_270 : vector<256x512xf32>
    %jit3A_272 = arith.constant 5.120000e+02 : f32
    %broadcast_in_dim3A_273 = vector.broadcast %jit3A_272 : f32 to vector<256x512xf32>
    %select_n3A_274 = arith.select %eq3A_271, %convert_element_type3A, %broadcast_in_dim3A_273 : vector<256x512xi1>, vector<256x512xf32>
    %reduce_min3A_275 = arith.constant dense<0x7F800000> : vector<256xf32>
    %reduce_min3A_276 = vector.multi_reduction <minimumf>, %select_n3A_274, %reduce_min3A_275 [1] : vector<256x512xf32> to vector<256xf32>
    %broadcast_in_dim3A_277 = vector.shape_cast %reduce_min3A_276 : vector<256xf32> to vector<256x1xf32>
    %lt3A_278 = arith.cmpf olt, %broadcast_in_dim3A_269, %select_n3A_248 : vector<256x1xf32>
    %select_n3A_279 = arith.select %lt3A_278, %broadcast_in_dim3A_269, %select_n3A_248 : vector<256x1xi1>, vector<256x1xf32>
    %add3A_280 = arith.constant 4.096000e+03 : f32
    %add3A_281 = vector.broadcast %add3A_280 : f32 to vector<256x1xf32>
    %add3A_282 = arith.addf %broadcast_in_dim3A_277, %add3A_281 : vector<256x1xf32>
    %select_n3A_283 = arith.select %lt3A_278, %add3A_282, %select_n3A_252 : vector<256x1xi1>, vector<256x1xf32>
    %get3A_284 = arith.constant 4608 : index
    %get3A_285 = arith.constant 0 : index
    %get3A_286 = vector.load %arg2[%get3A_284, %get3A_285] : memref<8192x256xf32, #tpu.memory_space<vmem>>, vector<512x256xf32>
    %get3A_287 = arith.constant 0 : index
    %get3A_288 = arith.constant 4608 : index
    %get3A_289 = vector.load %arg4[%get3A_287, %get3A_288] : memref<1x8192xf32, #tpu.memory_space<vmem>>, vector<1x512xf32>
    %get3A_290 = vector.shape_cast %get3A_289 : vector<1x512xf32> to vector<512xf32>
    %dot_general3A_291 = arith.constant dense<0.000000e+00> : vector<256x512xf32>
    %dot_general3A_292 = tpu.matmul %add3A, %get3A_286, %dot_general3A_291 {dimension_numbers = #tpu.dot_dimension_numbers<[1], [1], [0], [0], [0, 0, 1, 0], [], []>, transpose_lhs_hint = false} : vector<256x256xf32>, vector<512x256xf32>, vector<256x512xf32> -> vector<256x512xf32>
    %broadcast_in_dim3A_293 = vector.shape_cast %get3A_290 : vector<512xf32> to vector<1x512xf32>
    %add3A_294 = vector.broadcast %get3A_8 : vector<256x1xf32> to vector<256x512xf32>
    %add3A_295 = vector.broadcast %broadcast_in_dim3A_293 : vector<1x512xf32> to vector<256x512xf32>
    %add3A_296 = arith.addf %add3A_294, %add3A_295 : vector<256x512xf32>
    %sub3A_297 = arith.subf %add3A_296, %dot_general3A_292 : vector<256x512xf32>
    %reduce_min3A_298 = arith.constant dense<0x7F800000> : vector<256xf32>
    %reduce_min3A_299 = vector.multi_reduction <minimumf>, %sub3A_297, %reduce_min3A_298 [1] : vector<256x512xf32> to vector<256xf32>
    %broadcast_in_dim3A_300 = vector.shape_cast %reduce_min3A_299 : vector<256xf32> to vector<256x1xf32>
    %eq3A_301 = vector.broadcast %broadcast_in_dim3A_300 : vector<256x1xf32> to vector<256x512xf32>
    %eq3A_302 = arith.cmpf oeq, %sub3A_297, %eq3A_301 : vector<256x512xf32>
    %jit3A_303 = arith.constant 5.120000e+02 : f32
    %broadcast_in_dim3A_304 = vector.broadcast %jit3A_303 : f32 to vector<256x512xf32>
    %select_n3A_305 = arith.select %eq3A_302, %convert_element_type3A, %broadcast_in_dim3A_304 : vector<256x512xi1>, vector<256x512xf32>
    %reduce_min3A_306 = arith.constant dense<0x7F800000> : vector<256xf32>
    %reduce_min3A_307 = vector.multi_reduction <minimumf>, %select_n3A_305, %reduce_min3A_306 [1] : vector<256x512xf32> to vector<256xf32>
    %broadcast_in_dim3A_308 = vector.shape_cast %reduce_min3A_307 : vector<256xf32> to vector<256x1xf32>
    %lt3A_309 = arith.cmpf olt, %broadcast_in_dim3A_300, %select_n3A_279 : vector<256x1xf32>
    %select_n3A_310 = arith.select %lt3A_309, %broadcast_in_dim3A_300, %select_n3A_279 : vector<256x1xi1>, vector<256x1xf32>
    %add3A_311 = arith.constant 4.608000e+03 : f32
    %add3A_312 = vector.broadcast %add3A_311 : f32 to vector<256x1xf32>
    %add3A_313 = arith.addf %broadcast_in_dim3A_308, %add3A_312 : vector<256x1xf32>
    %select_n3A_314 = arith.select %lt3A_309, %add3A_313, %select_n3A_283 : vector<256x1xi1>, vector<256x1xf32>
    %get3A_315 = arith.constant 5120 : index
    %get3A_316 = arith.constant 0 : index
    %get3A_317 = vector.load %arg2[%get3A_315, %get3A_316] : memref<8192x256xf32, #tpu.memory_space<vmem>>, vector<512x256xf32>
    %get3A_318 = arith.constant 0 : index
    %get3A_319 = arith.constant 5120 : index
    %get3A_320 = vector.load %arg4[%get3A_318, %get3A_319] : memref<1x8192xf32, #tpu.memory_space<vmem>>, vector<1x512xf32>
    %get3A_321 = vector.shape_cast %get3A_320 : vector<1x512xf32> to vector<512xf32>
    %dot_general3A_322 = arith.constant dense<0.000000e+00> : vector<256x512xf32>
    %dot_general3A_323 = tpu.matmul %add3A, %get3A_317, %dot_general3A_322 {dimension_numbers = #tpu.dot_dimension_numbers<[1], [1], [0], [0], [0, 0, 1, 0], [], []>, transpose_lhs_hint = false} : vector<256x256xf32>, vector<512x256xf32>, vector<256x512xf32> -> vector<256x512xf32>
    %broadcast_in_dim3A_324 = vector.shape_cast %get3A_321 : vector<512xf32> to vector<1x512xf32>
    %add3A_325 = vector.broadcast %get3A_8 : vector<256x1xf32> to vector<256x512xf32>
    %add3A_326 = vector.broadcast %broadcast_in_dim3A_324 : vector<1x512xf32> to vector<256x512xf32>
    %add3A_327 = arith.addf %add3A_325, %add3A_326 : vector<256x512xf32>
    %sub3A_328 = arith.subf %add3A_327, %dot_general3A_323 : vector<256x512xf32>
    %reduce_min3A_329 = arith.constant dense<0x7F800000> : vector<256xf32>
    %reduce_min3A_330 = vector.multi_reduction <minimumf>, %sub3A_328, %reduce_min3A_329 [1] : vector<256x512xf32> to vector<256xf32>
    %broadcast_in_dim3A_331 = vector.shape_cast %reduce_min3A_330 : vector<256xf32> to vector<256x1xf32>
    %eq3A_332 = vector.broadcast %broadcast_in_dim3A_331 : vector<256x1xf32> to vector<256x512xf32>
    %eq3A_333 = arith.cmpf oeq, %sub3A_328, %eq3A_332 : vector<256x512xf32>
    %jit3A_334 = arith.constant 5.120000e+02 : f32
    %broadcast_in_dim3A_335 = vector.broadcast %jit3A_334 : f32 to vector<256x512xf32>
    %select_n3A_336 = arith.select %eq3A_333, %convert_element_type3A, %broadcast_in_dim3A_335 : vector<256x512xi1>, vector<256x512xf32>
    %reduce_min3A_337 = arith.constant dense<0x7F800000> : vector<256xf32>
    %reduce_min3A_338 = vector.multi_reduction <minimumf>, %select_n3A_336, %reduce_min3A_337 [1] : vector<256x512xf32> to vector<256xf32>
    %broadcast_in_dim3A_339 = vector.shape_cast %reduce_min3A_338 : vector<256xf32> to vector<256x1xf32>
    %lt3A_340 = arith.cmpf olt, %broadcast_in_dim3A_331, %select_n3A_310 : vector<256x1xf32>
    %select_n3A_341 = arith.select %lt3A_340, %broadcast_in_dim3A_331, %select_n3A_310 : vector<256x1xi1>, vector<256x1xf32>
    %add3A_342 = arith.constant 5.120000e+03 : f32
    %add3A_343 = vector.broadcast %add3A_342 : f32 to vector<256x1xf32>
    %add3A_344 = arith.addf %broadcast_in_dim3A_339, %add3A_343 : vector<256x1xf32>
    %select_n3A_345 = arith.select %lt3A_340, %add3A_344, %select_n3A_314 : vector<256x1xi1>, vector<256x1xf32>
    %get3A_346 = arith.constant 5632 : index
    %get3A_347 = arith.constant 0 : index
    %get3A_348 = vector.load %arg2[%get3A_346, %get3A_347] : memref<8192x256xf32, #tpu.memory_space<vmem>>, vector<512x256xf32>
    %get3A_349 = arith.constant 0 : index
    %get3A_350 = arith.constant 5632 : index
    %get3A_351 = vector.load %arg4[%get3A_349, %get3A_350] : memref<1x8192xf32, #tpu.memory_space<vmem>>, vector<1x512xf32>
    %get3A_352 = vector.shape_cast %get3A_351 : vector<1x512xf32> to vector<512xf32>
    %dot_general3A_353 = arith.constant dense<0.000000e+00> : vector<256x512xf32>
    %dot_general3A_354 = tpu.matmul %add3A, %get3A_348, %dot_general3A_353 {dimension_numbers = #tpu.dot_dimension_numbers<[1], [1], [0], [0], [0, 0, 1, 0], [], []>, transpose_lhs_hint = false} : vector<256x256xf32>, vector<512x256xf32>, vector<256x512xf32> -> vector<256x512xf32>
    %broadcast_in_dim3A_355 = vector.shape_cast %get3A_352 : vector<512xf32> to vector<1x512xf32>
    %add3A_356 = vector.broadcast %get3A_8 : vector<256x1xf32> to vector<256x512xf32>
    %add3A_357 = vector.broadcast %broadcast_in_dim3A_355 : vector<1x512xf32> to vector<256x512xf32>
    %add3A_358 = arith.addf %add3A_356, %add3A_357 : vector<256x512xf32>
    %sub3A_359 = arith.subf %add3A_358, %dot_general3A_354 : vector<256x512xf32>
    %reduce_min3A_360 = arith.constant dense<0x7F800000> : vector<256xf32>
    %reduce_min3A_361 = vector.multi_reduction <minimumf>, %sub3A_359, %reduce_min3A_360 [1] : vector<256x512xf32> to vector<256xf32>
    %broadcast_in_dim3A_362 = vector.shape_cast %reduce_min3A_361 : vector<256xf32> to vector<256x1xf32>
    %eq3A_363 = vector.broadcast %broadcast_in_dim3A_362 : vector<256x1xf32> to vector<256x512xf32>
    %eq3A_364 = arith.cmpf oeq, %sub3A_359, %eq3A_363 : vector<256x512xf32>
    %jit3A_365 = arith.constant 5.120000e+02 : f32
    %broadcast_in_dim3A_366 = vector.broadcast %jit3A_365 : f32 to vector<256x512xf32>
    %select_n3A_367 = arith.select %eq3A_364, %convert_element_type3A, %broadcast_in_dim3A_366 : vector<256x512xi1>, vector<256x512xf32>
    %reduce_min3A_368 = arith.constant dense<0x7F800000> : vector<256xf32>
    %reduce_min3A_369 = vector.multi_reduction <minimumf>, %select_n3A_367, %reduce_min3A_368 [1] : vector<256x512xf32> to vector<256xf32>
    %broadcast_in_dim3A_370 = vector.shape_cast %reduce_min3A_369 : vector<256xf32> to vector<256x1xf32>
    %lt3A_371 = arith.cmpf olt, %broadcast_in_dim3A_362, %select_n3A_341 : vector<256x1xf32>
    %select_n3A_372 = arith.select %lt3A_371, %broadcast_in_dim3A_362, %select_n3A_341 : vector<256x1xi1>, vector<256x1xf32>
    %add3A_373 = arith.constant 5.632000e+03 : f32
    %add3A_374 = vector.broadcast %add3A_373 : f32 to vector<256x1xf32>
    %add3A_375 = arith.addf %broadcast_in_dim3A_370, %add3A_374 : vector<256x1xf32>
    %select_n3A_376 = arith.select %lt3A_371, %add3A_375, %select_n3A_345 : vector<256x1xi1>, vector<256x1xf32>
    %get3A_377 = arith.constant 6144 : index
    %get3A_378 = arith.constant 0 : index
    %get3A_379 = vector.load %arg2[%get3A_377, %get3A_378] : memref<8192x256xf32, #tpu.memory_space<vmem>>, vector<512x256xf32>
    %get3A_380 = arith.constant 0 : index
    %get3A_381 = arith.constant 6144 : index
    %get3A_382 = vector.load %arg4[%get3A_380, %get3A_381] : memref<1x8192xf32, #tpu.memory_space<vmem>>, vector<1x512xf32>
    %get3A_383 = vector.shape_cast %get3A_382 : vector<1x512xf32> to vector<512xf32>
    %dot_general3A_384 = arith.constant dense<0.000000e+00> : vector<256x512xf32>
    %dot_general3A_385 = tpu.matmul %add3A, %get3A_379, %dot_general3A_384 {dimension_numbers = #tpu.dot_dimension_numbers<[1], [1], [0], [0], [0, 0, 1, 0], [], []>, transpose_lhs_hint = false} : vector<256x256xf32>, vector<512x256xf32>, vector<256x512xf32> -> vector<256x512xf32>
    %broadcast_in_dim3A_386 = vector.shape_cast %get3A_383 : vector<512xf32> to vector<1x512xf32>
    %add3A_387 = vector.broadcast %get3A_8 : vector<256x1xf32> to vector<256x512xf32>
    %add3A_388 = vector.broadcast %broadcast_in_dim3A_386 : vector<1x512xf32> to vector<256x512xf32>
    %add3A_389 = arith.addf %add3A_387, %add3A_388 : vector<256x512xf32>
    %sub3A_390 = arith.subf %add3A_389, %dot_general3A_385 : vector<256x512xf32>
    %reduce_min3A_391 = arith.constant dense<0x7F800000> : vector<256xf32>
    %reduce_min3A_392 = vector.multi_reduction <minimumf>, %sub3A_390, %reduce_min3A_391 [1] : vector<256x512xf32> to vector<256xf32>
    %broadcast_in_dim3A_393 = vector.shape_cast %reduce_min3A_392 : vector<256xf32> to vector<256x1xf32>
    %eq3A_394 = vector.broadcast %broadcast_in_dim3A_393 : vector<256x1xf32> to vector<256x512xf32>
    %eq3A_395 = arith.cmpf oeq, %sub3A_390, %eq3A_394 : vector<256x512xf32>
    %jit3A_396 = arith.constant 5.120000e+02 : f32
    %broadcast_in_dim3A_397 = vector.broadcast %jit3A_396 : f32 to vector<256x512xf32>
    %select_n3A_398 = arith.select %eq3A_395, %convert_element_type3A, %broadcast_in_dim3A_397 : vector<256x512xi1>, vector<256x512xf32>
    %reduce_min3A_399 = arith.constant dense<0x7F800000> : vector<256xf32>
    %reduce_min3A_400 = vector.multi_reduction <minimumf>, %select_n3A_398, %reduce_min3A_399 [1] : vector<256x512xf32> to vector<256xf32>
    %broadcast_in_dim3A_401 = vector.shape_cast %reduce_min3A_400 : vector<256xf32> to vector<256x1xf32>
    %lt3A_402 = arith.cmpf olt, %broadcast_in_dim3A_393, %select_n3A_372 : vector<256x1xf32>
    %select_n3A_403 = arith.select %lt3A_402, %broadcast_in_dim3A_393, %select_n3A_372 : vector<256x1xi1>, vector<256x1xf32>
    %add3A_404 = arith.constant 6.144000e+03 : f32
    %add3A_405 = vector.broadcast %add3A_404 : f32 to vector<256x1xf32>
    %add3A_406 = arith.addf %broadcast_in_dim3A_401, %add3A_405 : vector<256x1xf32>
    %select_n3A_407 = arith.select %lt3A_402, %add3A_406, %select_n3A_376 : vector<256x1xi1>, vector<256x1xf32>
    %get3A_408 = arith.constant 6656 : index
    %get3A_409 = arith.constant 0 : index
    %get3A_410 = vector.load %arg2[%get3A_408, %get3A_409] : memref<8192x256xf32, #tpu.memory_space<vmem>>, vector<512x256xf32>
    %get3A_411 = arith.constant 0 : index
    %get3A_412 = arith.constant 6656 : index
    %get3A_413 = vector.load %arg4[%get3A_411, %get3A_412] : memref<1x8192xf32, #tpu.memory_space<vmem>>, vector<1x512xf32>
    %get3A_414 = vector.shape_cast %get3A_413 : vector<1x512xf32> to vector<512xf32>
    %dot_general3A_415 = arith.constant dense<0.000000e+00> : vector<256x512xf32>
    %dot_general3A_416 = tpu.matmul %add3A, %get3A_410, %dot_general3A_415 {dimension_numbers = #tpu.dot_dimension_numbers<[1], [1], [0], [0], [0, 0, 1, 0], [], []>, transpose_lhs_hint = false} : vector<256x256xf32>, vector<512x256xf32>, vector<256x512xf32> -> vector<256x512xf32>
    %broadcast_in_dim3A_417 = vector.shape_cast %get3A_414 : vector<512xf32> to vector<1x512xf32>
    %add3A_418 = vector.broadcast %get3A_8 : vector<256x1xf32> to vector<256x512xf32>
    %add3A_419 = vector.broadcast %broadcast_in_dim3A_417 : vector<1x512xf32> to vector<256x512xf32>
    %add3A_420 = arith.addf %add3A_418, %add3A_419 : vector<256x512xf32>
    %sub3A_421 = arith.subf %add3A_420, %dot_general3A_416 : vector<256x512xf32>
    %reduce_min3A_422 = arith.constant dense<0x7F800000> : vector<256xf32>
    %reduce_min3A_423 = vector.multi_reduction <minimumf>, %sub3A_421, %reduce_min3A_422 [1] : vector<256x512xf32> to vector<256xf32>
    %broadcast_in_dim3A_424 = vector.shape_cast %reduce_min3A_423 : vector<256xf32> to vector<256x1xf32>
    %eq3A_425 = vector.broadcast %broadcast_in_dim3A_424 : vector<256x1xf32> to vector<256x512xf32>
    %eq3A_426 = arith.cmpf oeq, %sub3A_421, %eq3A_425 : vector<256x512xf32>
    %jit3A_427 = arith.constant 5.120000e+02 : f32
    %broadcast_in_dim3A_428 = vector.broadcast %jit3A_427 : f32 to vector<256x512xf32>
    %select_n3A_429 = arith.select %eq3A_426, %convert_element_type3A, %broadcast_in_dim3A_428 : vector<256x512xi1>, vector<256x512xf32>
    %reduce_min3A_430 = arith.constant dense<0x7F800000> : vector<256xf32>
    %reduce_min3A_431 = vector.multi_reduction <minimumf>, %select_n3A_429, %reduce_min3A_430 [1] : vector<256x512xf32> to vector<256xf32>
    %broadcast_in_dim3A_432 = vector.shape_cast %reduce_min3A_431 : vector<256xf32> to vector<256x1xf32>
    %lt3A_433 = arith.cmpf olt, %broadcast_in_dim3A_424, %select_n3A_403 : vector<256x1xf32>
    %select_n3A_434 = arith.select %lt3A_433, %broadcast_in_dim3A_424, %select_n3A_403 : vector<256x1xi1>, vector<256x1xf32>
    %add3A_435 = arith.constant 6.656000e+03 : f32
    %add3A_436 = vector.broadcast %add3A_435 : f32 to vector<256x1xf32>
    %add3A_437 = arith.addf %broadcast_in_dim3A_432, %add3A_436 : vector<256x1xf32>
    %select_n3A_438 = arith.select %lt3A_433, %add3A_437, %select_n3A_407 : vector<256x1xi1>, vector<256x1xf32>
    %get3A_439 = arith.constant 7168 : index
    %get3A_440 = arith.constant 0 : index
    %get3A_441 = vector.load %arg2[%get3A_439, %get3A_440] : memref<8192x256xf32, #tpu.memory_space<vmem>>, vector<512x256xf32>
    %get3A_442 = arith.constant 0 : index
    %get3A_443 = arith.constant 7168 : index
    %get3A_444 = vector.load %arg4[%get3A_442, %get3A_443] : memref<1x8192xf32, #tpu.memory_space<vmem>>, vector<1x512xf32>
    %get3A_445 = vector.shape_cast %get3A_444 : vector<1x512xf32> to vector<512xf32>
    %dot_general3A_446 = arith.constant dense<0.000000e+00> : vector<256x512xf32>
    %dot_general3A_447 = tpu.matmul %add3A, %get3A_441, %dot_general3A_446 {dimension_numbers = #tpu.dot_dimension_numbers<[1], [1], [0], [0], [0, 0, 1, 0], [], []>, transpose_lhs_hint = false} : vector<256x256xf32>, vector<512x256xf32>, vector<256x512xf32> -> vector<256x512xf32>
    %broadcast_in_dim3A_448 = vector.shape_cast %get3A_445 : vector<512xf32> to vector<1x512xf32>
    %add3A_449 = vector.broadcast %get3A_8 : vector<256x1xf32> to vector<256x512xf32>
    %add3A_450 = vector.broadcast %broadcast_in_dim3A_448 : vector<1x512xf32> to vector<256x512xf32>
    %add3A_451 = arith.addf %add3A_449, %add3A_450 : vector<256x512xf32>
    %sub3A_452 = arith.subf %add3A_451, %dot_general3A_447 : vector<256x512xf32>
    %reduce_min3A_453 = arith.constant dense<0x7F800000> : vector<256xf32>
    %reduce_min3A_454 = vector.multi_reduction <minimumf>, %sub3A_452, %reduce_min3A_453 [1] : vector<256x512xf32> to vector<256xf32>
    %broadcast_in_dim3A_455 = vector.shape_cast %reduce_min3A_454 : vector<256xf32> to vector<256x1xf32>
    %eq3A_456 = vector.broadcast %broadcast_in_dim3A_455 : vector<256x1xf32> to vector<256x512xf32>
    %eq3A_457 = arith.cmpf oeq, %sub3A_452, %eq3A_456 : vector<256x512xf32>
    %jit3A_458 = arith.constant 5.120000e+02 : f32
    %broadcast_in_dim3A_459 = vector.broadcast %jit3A_458 : f32 to vector<256x512xf32>
    %select_n3A_460 = arith.select %eq3A_457, %convert_element_type3A, %broadcast_in_dim3A_459 : vector<256x512xi1>, vector<256x512xf32>
    %reduce_min3A_461 = arith.constant dense<0x7F800000> : vector<256xf32>
    %reduce_min3A_462 = vector.multi_reduction <minimumf>, %select_n3A_460, %reduce_min3A_461 [1] : vector<256x512xf32> to vector<256xf32>
    %broadcast_in_dim3A_463 = vector.shape_cast %reduce_min3A_462 : vector<256xf32> to vector<256x1xf32>
    %lt3A_464 = arith.cmpf olt, %broadcast_in_dim3A_455, %select_n3A_434 : vector<256x1xf32>
    %select_n3A_465 = arith.select %lt3A_464, %broadcast_in_dim3A_455, %select_n3A_434 : vector<256x1xi1>, vector<256x1xf32>
    %add3A_466 = arith.constant 7.168000e+03 : f32
    %add3A_467 = vector.broadcast %add3A_466 : f32 to vector<256x1xf32>
    %add3A_468 = arith.addf %broadcast_in_dim3A_463, %add3A_467 : vector<256x1xf32>
    %select_n3A_469 = arith.select %lt3A_464, %add3A_468, %select_n3A_438 : vector<256x1xi1>, vector<256x1xf32>
    %get3A_470 = arith.constant 7680 : index
    %get3A_471 = arith.constant 0 : index
    %get3A_472 = vector.load %arg2[%get3A_470, %get3A_471] : memref<8192x256xf32, #tpu.memory_space<vmem>>, vector<512x256xf32>
    %get3A_473 = arith.constant 0 : index
    %get3A_474 = arith.constant 7680 : index
    %get3A_475 = vector.load %arg4[%get3A_473, %get3A_474] : memref<1x8192xf32, #tpu.memory_space<vmem>>, vector<1x512xf32>
    %get3A_476 = vector.shape_cast %get3A_475 : vector<1x512xf32> to vector<512xf32>
    %dot_general3A_477 = arith.constant dense<0.000000e+00> : vector<256x512xf32>
    %dot_general3A_478 = tpu.matmul %add3A, %get3A_472, %dot_general3A_477 {dimension_numbers = #tpu.dot_dimension_numbers<[1], [1], [0], [0], [0, 0, 1, 0], [], []>, transpose_lhs_hint = false} : vector<256x256xf32>, vector<512x256xf32>, vector<256x512xf32> -> vector<256x512xf32>
    %broadcast_in_dim3A_479 = vector.shape_cast %get3A_476 : vector<512xf32> to vector<1x512xf32>
    %add3A_480 = vector.broadcast %get3A_8 : vector<256x1xf32> to vector<256x512xf32>
    %add3A_481 = vector.broadcast %broadcast_in_dim3A_479 : vector<1x512xf32> to vector<256x512xf32>
    %add3A_482 = arith.addf %add3A_480, %add3A_481 : vector<256x512xf32>
    %sub3A_483 = arith.subf %add3A_482, %dot_general3A_478 : vector<256x512xf32>
    %reduce_min3A_484 = arith.constant dense<0x7F800000> : vector<256xf32>
    %reduce_min3A_485 = vector.multi_reduction <minimumf>, %sub3A_483, %reduce_min3A_484 [1] : vector<256x512xf32> to vector<256xf32>
    %broadcast_in_dim3A_486 = vector.shape_cast %reduce_min3A_485 : vector<256xf32> to vector<256x1xf32>
    %eq3A_487 = vector.broadcast %broadcast_in_dim3A_486 : vector<256x1xf32> to vector<256x512xf32>
    %eq3A_488 = arith.cmpf oeq, %sub3A_483, %eq3A_487 : vector<256x512xf32>
    %jit3A_489 = arith.constant 5.120000e+02 : f32
    %broadcast_in_dim3A_490 = vector.broadcast %jit3A_489 : f32 to vector<256x512xf32>
    %select_n3A_491 = arith.select %eq3A_488, %convert_element_type3A, %broadcast_in_dim3A_490 : vector<256x512xi1>, vector<256x512xf32>
    %reduce_min3A_492 = arith.constant dense<0x7F800000> : vector<256xf32>
    %reduce_min3A_493 = vector.multi_reduction <minimumf>, %select_n3A_491, %reduce_min3A_492 [1] : vector<256x512xf32> to vector<256xf32>
    %broadcast_in_dim3A_494 = vector.shape_cast %reduce_min3A_493 : vector<256xf32> to vector<256x1xf32>
    %lt3A_495 = arith.cmpf olt, %broadcast_in_dim3A_486, %select_n3A_465 : vector<256x1xf32>
    %add3A_496 = arith.constant 7.680000e+03 : f32
    %add3A_497 = vector.broadcast %add3A_496 : f32 to vector<256x1xf32>
    %add3A_498 = arith.addf %broadcast_in_dim3A_494, %add3A_497 : vector<256x1xf32>
    %select_n3A_499 = arith.select %lt3A_495, %add3A_498, %select_n3A_469 : vector<256x1xi1>, vector<256x1xf32>
    %convert_element_type3A_500 = arith.fptosi %select_n3A_499 : vector<256x1xf32> to vector<256x1xi32>
    %squeeze3A = vector.shape_cast %convert_element_type3A_500 : vector<256x1xi32> to vector<256xi32>
    %swap3A = arith.constant 0 : index
    %swap3A_501 = arith.constant 0 : index
    %swap3A_502 = arith.constant 0 : index
    %swap3A_503 = vector.load %arg5[%swap3A, %swap3A_501, %swap3A_502] : memref<1x1x256xi32, #tpu.memory_space<vmem>>, vector<1x1x256xi32>
    %swap3A_504 = vector.shape_cast %swap3A_503 : vector<1x1x256xi32> to vector<256xi32>
    %swap3A_505 = vector.shape_cast %squeeze3A : vector<256xi32> to vector<1x1x256xi32>
    tpu.vector_store %arg5[%swap3A, %swap3A_501, %swap3A_502], %swap3A_505 {strides = array<i32>} : memref<1x1x256xi32, #tpu.memory_space<vmem>>, vector<1x1x256xi32>,
    %iota3A_506 = tpu.iota {dimensions = array<i32: 1>} : vector<64x8192xi32>
    %rem3A = arith.constant 2 : i32
    %rem3A_507 = arith.remsi %arg0, %rem3A : i32
    %mul3A = arith.constant 4 : i32
    %mul3A_508 = arith.muli %rem3A_507, %mul3A : i32
    %add3A_509 = arith.constant 0 : i32
    %add3A_510 = arith.addi %mul3A_508, %add3A_509 : i32
    %ge3A = arith.constant 2 : i32
    %ge3A_511 = arith.cmpi sge, %arg0, %ge3A : i32
    %convert_element_type3A_512 = arith.extui %ge3A_511 : i1 to i32
    %cond3A = arith.constant 0 : i32
    %cond3A_513 = arith.cmpi ne, %convert_element_type3A_512, %cond3A : i32
    scf.if %cond3A_513 {
      %dma_wait3A = tpu.memref_slice %arg8[%add3A_510] : memref<8x!tpu.dma_semaphore, #tpu.memory_space<semaphore_mem>> -> memref<1x!tpu.dma_semaphore, #tpu.memory_space<semaphore_mem>>
      %dma_wait3A_628 = tpu.memref_squeeze %dma_wait3A : memref<1x!tpu.dma_semaphore, #tpu.memory_space<semaphore_mem>> -> memref<!tpu.dma_semaphore, #tpu.memory_space<semaphore_mem>>
      %dma_wait3A_629 = arith.constant 0 : i32
      %dma_wait3A_630 = arith.constant 0 : i32
      %dma_wait3A_631 = tpu.memref_slice %arg6[%arg0, %dma_wait3A_629, %dma_wait3A_630] : memref<18x256x8192xf32, #tpu.memory_space<any>> -> memref<1x64x8192xf32, #tpu.memory_space<any>>
      %dma_wait3A_632 = tpu.memref_squeeze %dma_wait3A_631 : memref<1x64x8192xf32, #tpu.memory_space<any>> -> memref<64x8192xf32, #tpu.memory_space<any>>
      %dma_wait3A_633 = arith.constant 0 : i32
      %dma_wait3A_634 = arith.constant 0 : i32
      %dma_wait3A_635 = tpu.memref_slice %arg7[%add3A_510, %dma_wait3A_633, %dma_wait3A_634] : memref<8x64x8192xf32, #tpu.memory_space<vmem>> -> memref<1x64x8192xf32, #tpu.memory_space<vmem>>
      %dma_wait3A_636 = tpu.memref_squeeze %dma_wait3A_635 : memref<1x64x8192xf32, #tpu.memory_space<vmem>> -> memref<64x8192xf32, #tpu.memory_space<vmem>>
      tpu.wait_dma2 semaphore(%dma_wait3A_628 : memref<!tpu.dma_semaphore, #tpu.memory_space<semaphore_mem>>) src(%dma_wait3A_636 : memref<64x8192xf32, #tpu.memory_space<vmem>>) dst(%dma_wait3A_632 : memref<64x8192xf32, #tpu.memory_space<any>>)
    } else {
    }
    %slice3A = vector.extract_strided_slice %convert_element_type3A_500 {offsets = [0, 0], sizes = [64, 1], strides = [1, 1]} : vector<256x1xi32> to vector<64x1xi32>
    %eq3A_514 = vector.broadcast %slice3A : vector<64x1xi32> to vector<64x8192xi32>
    %eq3A_515 = arith.cmpi eq, %iota3A_506, %eq3A_514 : vector<64x8192xi32>
    %convert_element_type3A_516 = arith.extui %eq3A_515 : vector<64x8192xi1> to vector<64x8192xi32>
    %convert_element_type3A_517 = arith.sitofp %convert_element_type3A_516 : vector<64x8192xi32> to vector<64x8192xf32>
    %swap3A_518 = arith.index_cast %add3A_510 : i32 to index
    %swap3A_519 = arith.constant 0 : index
    %swap3A_520 = arith.constant 0 : index
    %swap3A_521 = vector.load %arg7[%swap3A_518, %swap3A_519, %swap3A_520] : memref<8x64x8192xf32, #tpu.memory_space<vmem>>, vector<1x64x8192xf32>
    %swap3A_522 = vector.shape_cast %swap3A_521 : vector<1x64x8192xf32> to vector<64x8192xf32>
    %swap3A_523 = vector.shape_cast %convert_element_type3A_517 : vector<64x8192xf32> to vector<1x64x8192xf32>
    tpu.vector_store %arg7[%swap3A_518, %swap3A_519, %swap3A_520], %swap3A_523 {strides = array<i32>} : memref<8x64x8192xf32, #tpu.memory_space<vmem>>, vector<1x64x8192xf32>,
    %dma_start3A = tpu.memref_slice %arg8[%add3A_510] : memref<8x!tpu.dma_semaphore, #tpu.memory_space<semaphore_mem>> -> memref<1x!tpu.dma_semaphore, #tpu.memory_space<semaphore_mem>>
    %dma_start3A_524 = tpu.memref_squeeze %dma_start3A : memref<1x!tpu.dma_semaphore, #tpu.memory_space<semaphore_mem>> -> memref<!tpu.dma_semaphore, #tpu.memory_space<semaphore_mem>>
    %dma_start3A_525 = arith.constant 0 : i32
    %dma_start3A_526 = arith.constant 0 : i32
    %dma_start3A_527 = tpu.memref_slice %arg6[%arg0, %dma_start3A_525, %dma_start3A_526] : memref<18x256x8192xf32, #tpu.memory_space<any>> -> memref<1x64x8192xf32, #tpu.memory_space<any>>
    %dma_start3A_528 = tpu.memref_squeeze %dma_start3A_527 : memref<1x64x8192xf32, #tpu.memory_space<any>> -> memref<64x8192xf32, #tpu.memory_space<any>>
    %dma_start3A_529 = arith.constant 0 : i32
    %dma_start3A_530 = arith.constant 0 : i32
    %dma_start3A_531 = tpu.memref_slice %arg7[%add3A_510, %dma_start3A_529, %dma_start3A_530] : memref<8x64x8192xf32, #tpu.memory_space<vmem>> -> memref<1x64x8192xf32, #tpu.memory_space<vmem>>
    %dma_start3A_532 = tpu.memref_squeeze %dma_start3A_531 : memref<1x64x8192xf32, #tpu.memory_space<vmem>> -> memref<64x8192xf32, #tpu.memory_space<vmem>>
    tpu.enqueue_dma source(%dma_start3A_532 : memref<64x8192xf32, #tpu.memory_space<vmem>>) target(%dma_start3A_528 : memref<64x8192xf32, #tpu.memory_space<any>>) target_semaphore(%dma_start3A_524 : memref<!tpu.dma_semaphore, #tpu.memory_space<semaphore_mem>>)
    %mul3A_533 = arith.constant 4 : i32
    %mul3A_534 = arith.muli %rem3A_507, %mul3A_533 : i32
    %add3A_535 = arith.constant 1 : i32
    %add3A_536 = arith.addi %mul3A_534, %add3A_535 : i32
    %ge3A_537 = arith.constant 2 : i32
    %ge3A_538 = arith.cmpi sge, %arg0, %ge3A_537 : i32
    %convert_element_type3A_539 = arith.extui %ge3A_538 : i1 to i32
    %cond3A_540 = arith.constant 0 : i32
    %cond3A_541 = arith.cmpi ne, %convert_element_type3A_539, %cond3A_540 : i32
    scf.if %cond3A_541 {
      %dma_wait3A = tpu.memref_slice %arg8[%add3A_536] : memref<8x!tpu.dma_semaphore, #tpu.memory_space<semaphore_mem>> -> memref<1x!tpu.dma_semaphore, #tpu.memory_space<semaphore_mem>>
      %dma_wait3A_628 = tpu.memref_squeeze %dma_wait3A : memref<1x!tpu.dma_semaphore, #tpu.memory_space<semaphore_mem>> -> memref<!tpu.dma_semaphore, #tpu.memory_space<semaphore_mem>>
      %dma_wait3A_629 = arith.constant 64 : i32
      %dma_wait3A_630 = arith.constant 0 : i32
      %dma_wait3A_631 = tpu.memref_slice %arg6[%arg0, %dma_wait3A_629, %dma_wait3A_630] : memref<18x256x8192xf32, #tpu.memory_space<any>> -> memref<1x64x8192xf32, #tpu.memory_space<any>>
      %dma_wait3A_632 = tpu.memref_squeeze %dma_wait3A_631 : memref<1x64x8192xf32, #tpu.memory_space<any>> -> memref<64x8192xf32, #tpu.memory_space<any>>
      %dma_wait3A_633 = arith.constant 0 : i32
      %dma_wait3A_634 = arith.constant 0 : i32
      %dma_wait3A_635 = tpu.memref_slice %arg7[%add3A_536, %dma_wait3A_633, %dma_wait3A_634] : memref<8x64x8192xf32, #tpu.memory_space<vmem>> -> memref<1x64x8192xf32, #tpu.memory_space<vmem>>
      %dma_wait3A_636 = tpu.memref_squeeze %dma_wait3A_635 : memref<1x64x8192xf32, #tpu.memory_space<vmem>> -> memref<64x8192xf32, #tpu.memory_space<vmem>>
      tpu.wait_dma2 semaphore(%dma_wait3A_628 : memref<!tpu.dma_semaphore, #tpu.memory_space<semaphore_mem>>) src(%dma_wait3A_636 : memref<64x8192xf32, #tpu.memory_space<vmem>>) dst(%dma_wait3A_632 : memref<64x8192xf32, #tpu.memory_space<any>>)
    } else {
    }
    %slice3A_542 = vector.extract_strided_slice %convert_element_type3A_500 {offsets = [64, 0], sizes = [64, 1], strides = [1, 1]} : vector<256x1xi32> to vector<64x1xi32>
    %eq3A_543 = vector.broadcast %slice3A_542 : vector<64x1xi32> to vector<64x8192xi32>
    %eq3A_544 = arith.cmpi eq, %iota3A_506, %eq3A_543 : vector<64x8192xi32>
    %convert_element_type3A_545 = arith.extui %eq3A_544 : vector<64x8192xi1> to vector<64x8192xi32>
    %convert_element_type3A_546 = arith.sitofp %convert_element_type3A_545 : vector<64x8192xi32> to vector<64x8192xf32>
    %swap3A_547 = arith.index_cast %add3A_536 : i32 to index
    %swap3A_548 = arith.constant 0 : index
    %swap3A_549 = arith.constant 0 : index
    %swap3A_550 = vector.load %arg7[%swap3A_547, %swap3A_548, %swap3A_549] : memref<8x64x8192xf32, #tpu.memory_space<vmem>>, vector<1x64x8192xf32>
    %swap3A_551 = vector.shape_cast %swap3A_550 : vector<1x64x8192xf32> to vector<64x8192xf32>
    %swap3A_552 = vector.shape_cast %convert_element_type3A_546 : vector<64x8192xf32> to vector<1x64x8192xf32>
    tpu.vector_store %arg7[%swap3A_547, %swap3A_548, %swap3A_549], %swap3A_552 {strides = array<i32>} : memref<8x64x8192xf32, #tpu.memory_space<vmem>>, vector<1x64x8192xf32>,
    %dma_start3A_553 = tpu.memref_slice %arg8[%add3A_536] : memref<8x!tpu.dma_semaphore, #tpu.memory_space<semaphore_mem>> -> memref<1x!tpu.dma_semaphore, #tpu.memory_space<semaphore_mem>>
    %dma_start3A_554 = tpu.memref_squeeze %dma_start3A_553 : memref<1x!tpu.dma_semaphore, #tpu.memory_space<semaphore_mem>> -> memref<!tpu.dma_semaphore, #tpu.memory_space<semaphore_mem>>
    %dma_start3A_555 = arith.constant 64 : i32
    %dma_start3A_556 = arith.constant 0 : i32
    %dma_start3A_557 = tpu.memref_slice %arg6[%arg0, %dma_start3A_555, %dma_start3A_556] : memref<18x256x8192xf32, #tpu.memory_space<any>> -> memref<1x64x8192xf32, #tpu.memory_space<any>>
    %dma_start3A_558 = tpu.memref_squeeze %dma_start3A_557 : memref<1x64x8192xf32, #tpu.memory_space<any>> -> memref<64x8192xf32, #tpu.memory_space<any>>
    %dma_start3A_559 = arith.constant 0 : i32
    %dma_start3A_560 = arith.constant 0 : i32
    %dma_start3A_561 = tpu.memref_slice %arg7[%add3A_536, %dma_start3A_559, %dma_start3A_560] : memref<8x64x8192xf32, #tpu.memory_space<vmem>> -> memref<1x64x8192xf32, #tpu.memory_space<vmem>>
    %dma_start3A_562 = tpu.memref_squeeze %dma_start3A_561 : memref<1x64x8192xf32, #tpu.memory_space<vmem>> -> memref<64x8192xf32, #tpu.memory_space<vmem>>
    tpu.enqueue_dma source(%dma_start3A_562 : memref<64x8192xf32, #tpu.memory_space<vmem>>) target(%dma_start3A_558 : memref<64x8192xf32, #tpu.memory_space<any>>) target_semaphore(%dma_start3A_554 : memref<!tpu.dma_semaphore, #tpu.memory_space<semaphore_mem>>)
    %mul3A_563 = arith.constant 4 : i32
    %mul3A_564 = arith.muli %rem3A_507, %mul3A_563 : i32
    %add3A_565 = arith.constant 2 : i32
    %add3A_566 = arith.addi %mul3A_564, %add3A_565 : i32
    %ge3A_567 = arith.constant 2 : i32
    %ge3A_568 = arith.cmpi sge, %arg0, %ge3A_567 : i32
    %convert_element_type3A_569 = arith.extui %ge3A_568 : i1 to i32
    %cond3A_570 = arith.constant 0 : i32
    %cond3A_571 = arith.cmpi ne, %convert_element_type3A_569, %cond3A_570 : i32
    scf.if %cond3A_571 {
      %dma_wait3A = tpu.memref_slice %arg8[%add3A_566] : memref<8x!tpu.dma_semaphore, #tpu.memory_space<semaphore_mem>> -> memref<1x!tpu.dma_semaphore, #tpu.memory_space<semaphore_mem>>
      %dma_wait3A_628 = tpu.memref_squeeze %dma_wait3A : memref<1x!tpu.dma_semaphore, #tpu.memory_space<semaphore_mem>> -> memref<!tpu.dma_semaphore, #tpu.memory_space<semaphore_mem>>
      %dma_wait3A_629 = arith.constant 128 : i32
      %dma_wait3A_630 = arith.constant 0 : i32
      %dma_wait3A_631 = tpu.memref_slice %arg6[%arg0, %dma_wait3A_629, %dma_wait3A_630] : memref<18x256x8192xf32, #tpu.memory_space<any>> -> memref<1x64x8192xf32, #tpu.memory_space<any>>
      %dma_wait3A_632 = tpu.memref_squeeze %dma_wait3A_631 : memref<1x64x8192xf32, #tpu.memory_space<any>> -> memref<64x8192xf32, #tpu.memory_space<any>>
      %dma_wait3A_633 = arith.constant 0 : i32
      %dma_wait3A_634 = arith.constant 0 : i32
      %dma_wait3A_635 = tpu.memref_slice %arg7[%add3A_566, %dma_wait3A_633, %dma_wait3A_634] : memref<8x64x8192xf32, #tpu.memory_space<vmem>> -> memref<1x64x8192xf32, #tpu.memory_space<vmem>>
      %dma_wait3A_636 = tpu.memref_squeeze %dma_wait3A_635 : memref<1x64x8192xf32, #tpu.memory_space<vmem>> -> memref<64x8192xf32, #tpu.memory_space<vmem>>
      tpu.wait_dma2 semaphore(%dma_wait3A_628 : memref<!tpu.dma_semaphore, #tpu.memory_space<semaphore_mem>>) src(%dma_wait3A_636 : memref<64x8192xf32, #tpu.memory_space<vmem>>) dst(%dma_wait3A_632 : memref<64x8192xf32, #tpu.memory_space<any>>)
    } else {
    }
    %slice3A_572 = vector.extract_strided_slice %convert_element_type3A_500 {offsets = [128, 0], sizes = [64, 1], strides = [1, 1]} : vector<256x1xi32> to vector<64x1xi32>
    %eq3A_573 = vector.broadcast %slice3A_572 : vector<64x1xi32> to vector<64x8192xi32>
    %eq3A_574 = arith.cmpi eq, %iota3A_506, %eq3A_573 : vector<64x8192xi32>
    %convert_element_type3A_575 = arith.extui %eq3A_574 : vector<64x8192xi1> to vector<64x8192xi32>
    %convert_element_type3A_576 = arith.sitofp %convert_element_type3A_575 : vector<64x8192xi32> to vector<64x8192xf32>
    %swap3A_577 = arith.index_cast %add3A_566 : i32 to index
    %swap3A_578 = arith.constant 0 : index
    %swap3A_579 = arith.constant 0 : index
    %swap3A_580 = vector.load %arg7[%swap3A_577, %swap3A_578, %swap3A_579] : memref<8x64x8192xf32, #tpu.memory_space<vmem>>, vector<1x64x8192xf32>
    %swap3A_581 = vector.shape_cast %swap3A_580 : vector<1x64x8192xf32> to vector<64x8192xf32>
    %swap3A_582 = vector.shape_cast %convert_element_type3A_576 : vector<64x8192xf32> to vector<1x64x8192xf32>
    tpu.vector_store %arg7[%swap3A_577, %swap3A_578, %swap3A_579], %swap3A_582 {strides = array<i32>} : memref<8x64x8192xf32, #tpu.memory_space<vmem>>, vector<1x64x8192xf32>,
    %dma_start3A_583 = tpu.memref_slice %arg8[%add3A_566] : memref<8x!tpu.dma_semaphore, #tpu.memory_space<semaphore_mem>> -> memref<1x!tpu.dma_semaphore, #tpu.memory_space<semaphore_mem>>
    %dma_start3A_584 = tpu.memref_squeeze %dma_start3A_583 : memref<1x!tpu.dma_semaphore, #tpu.memory_space<semaphore_mem>> -> memref<!tpu.dma_semaphore, #tpu.memory_space<semaphore_mem>>
    %dma_start3A_585 = arith.constant 128 : i32
    %dma_start3A_586 = arith.constant 0 : i32
    %dma_start3A_587 = tpu.memref_slice %arg6[%arg0, %dma_start3A_585, %dma_start3A_586] : memref<18x256x8192xf32, #tpu.memory_space<any>> -> memref<1x64x8192xf32, #tpu.memory_space<any>>
    %dma_start3A_588 = tpu.memref_squeeze %dma_start3A_587 : memref<1x64x8192xf32, #tpu.memory_space<any>> -> memref<64x8192xf32, #tpu.memory_space<any>>
    %dma_start3A_589 = arith.constant 0 : i32
    %dma_start3A_590 = arith.constant 0 : i32
    %dma_start3A_591 = tpu.memref_slice %arg7[%add3A_566, %dma_start3A_589, %dma_start3A_590] : memref<8x64x8192xf32, #tpu.memory_space<vmem>> -> memref<1x64x8192xf32, #tpu.memory_space<vmem>>
    %dma_start3A_592 = tpu.memref_squeeze %dma_start3A_591 : memref<1x64x8192xf32, #tpu.memory_space<vmem>> -> memref<64x8192xf32, #tpu.memory_space<vmem>>
    tpu.enqueue_dma source(%dma_start3A_592 : memref<64x8192xf32, #tpu.memory_space<vmem>>) target(%dma_start3A_588 : memref<64x8192xf32, #tpu.memory_space<any>>) target_semaphore(%dma_start3A_584 : memref<!tpu.dma_semaphore, #tpu.memory_space<semaphore_mem>>)
    %mul3A_593 = arith.constant 4 : i32
    %mul3A_594 = arith.muli %rem3A_507, %mul3A_593 : i32
    %add3A_595 = arith.constant 3 : i32
    %add3A_596 = arith.addi %mul3A_594, %add3A_595 : i32
    %ge3A_597 = arith.constant 2 : i32
    %ge3A_598 = arith.cmpi sge, %arg0, %ge3A_597 : i32
    %convert_element_type3A_599 = arith.extui %ge3A_598 : i1 to i32
    %cond3A_600 = arith.constant 0 : i32
    %cond3A_601 = arith.cmpi ne, %convert_element_type3A_599, %cond3A_600 : i32
    scf.if %cond3A_601 {
      %dma_wait3A = tpu.memref_slice %arg8[%add3A_596] : memref<8x!tpu.dma_semaphore, #tpu.memory_space<semaphore_mem>> -> memref<1x!tpu.dma_semaphore, #tpu.memory_space<semaphore_mem>>
      %dma_wait3A_628 = tpu.memref_squeeze %dma_wait3A : memref<1x!tpu.dma_semaphore, #tpu.memory_space<semaphore_mem>> -> memref<!tpu.dma_semaphore, #tpu.memory_space<semaphore_mem>>
      %dma_wait3A_629 = arith.constant 192 : i32
      %dma_wait3A_630 = arith.constant 0 : i32
      %dma_wait3A_631 = tpu.memref_slice %arg6[%arg0, %dma_wait3A_629, %dma_wait3A_630] : memref<18x256x8192xf32, #tpu.memory_space<any>> -> memref<1x64x8192xf32, #tpu.memory_space<any>>
      %dma_wait3A_632 = tpu.memref_squeeze %dma_wait3A_631 : memref<1x64x8192xf32, #tpu.memory_space<any>> -> memref<64x8192xf32, #tpu.memory_space<any>>
      %dma_wait3A_633 = arith.constant 0 : i32
      %dma_wait3A_634 = arith.constant 0 : i32
      %dma_wait3A_635 = tpu.memref_slice %arg7[%add3A_596, %dma_wait3A_633, %dma_wait3A_634] : memref<8x64x8192xf32, #tpu.memory_space<vmem>> -> memref<1x64x8192xf32, #tpu.memory_space<vmem>>
      %dma_wait3A_636 = tpu.memref_squeeze %dma_wait3A_635 : memref<1x64x8192xf32, #tpu.memory_space<vmem>> -> memref<64x8192xf32, #tpu.memory_space<vmem>>
      tpu.wait_dma2 semaphore(%dma_wait3A_628 : memref<!tpu.dma_semaphore, #tpu.memory_space<semaphore_mem>>) src(%dma_wait3A_636 : memref<64x8192xf32, #tpu.memory_space<vmem>>) dst(%dma_wait3A_632 : memref<64x8192xf32, #tpu.memory_space<any>>)
    } else {
    }
    %slice3A_602 = vector.extract_strided_slice %convert_element_type3A_500 {offsets = [192, 0], sizes = [64, 1], strides = [1, 1]} : vector<256x1xi32> to vector<64x1xi32>
    %eq3A_603 = vector.broadcast %slice3A_602 : vector<64x1xi32> to vector<64x8192xi32>
    %eq3A_604 = arith.cmpi eq, %iota3A_506, %eq3A_603 : vector<64x8192xi32>
    %convert_element_type3A_605 = arith.extui %eq3A_604 : vector<64x8192xi1> to vector<64x8192xi32>
    %convert_element_type3A_606 = arith.sitofp %convert_element_type3A_605 : vector<64x8192xi32> to vector<64x8192xf32>
    %swap3A_607 = arith.index_cast %add3A_596 : i32 to index
    %swap3A_608 = arith.constant 0 : index
    %swap3A_609 = arith.constant 0 : index
    %swap3A_610 = vector.load %arg7[%swap3A_607, %swap3A_608, %swap3A_609] : memref<8x64x8192xf32, #tpu.memory_space<vmem>>, vector<1x64x8192xf32>
    %swap3A_611 = vector.shape_cast %swap3A_610 : vector<1x64x8192xf32> to vector<64x8192xf32>
    %swap3A_612 = vector.shape_cast %convert_element_type3A_606 : vector<64x8192xf32> to vector<1x64x8192xf32>
    tpu.vector_store %arg7[%swap3A_607, %swap3A_608, %swap3A_609], %swap3A_612 {strides = array<i32>} : memref<8x64x8192xf32, #tpu.memory_space<vmem>>, vector<1x64x8192xf32>,
    %dma_start3A_613 = tpu.memref_slice %arg8[%add3A_596] : memref<8x!tpu.dma_semaphore, #tpu.memory_space<semaphore_mem>> -> memref<1x!tpu.dma_semaphore, #tpu.memory_space<semaphore_mem>>
    %dma_start3A_614 = tpu.memref_squeeze %dma_start3A_613 : memref<1x!tpu.dma_semaphore, #tpu.memory_space<semaphore_mem>> -> memref<!tpu.dma_semaphore, #tpu.memory_space<semaphore_mem>>
    %dma_start3A_615 = arith.constant 192 : i32
    %dma_start3A_616 = arith.constant 0 : i32
    %dma_start3A_617 = tpu.memref_slice %arg6[%arg0, %dma_start3A_615, %dma_start3A_616] : memref<18x256x8192xf32, #tpu.memory_space<any>> -> memref<1x64x8192xf32, #tpu.memory_space<any>>
    %dma_start3A_618 = tpu.memref_squeeze %dma_start3A_617 : memref<1x64x8192xf32, #tpu.memory_space<any>> -> memref<64x8192xf32, #tpu.memory_space<any>>
    %dma_start3A_619 = arith.constant 0 : i32
    %dma_start3A_620 = arith.constant 0 : i32
    %dma_start3A_621 = tpu.memref_slice %arg7[%add3A_596, %dma_start3A_619, %dma_start3A_620] : memref<8x64x8192xf32, #tpu.memory_space<vmem>> -> memref<1x64x8192xf32, #tpu.memory_space<vmem>>
    %dma_start3A_622 = tpu.memref_squeeze %dma_start3A_621 : memref<1x64x8192xf32, #tpu.memory_space<vmem>> -> memref<64x8192xf32, #tpu.memory_space<vmem>>
    tpu.enqueue_dma source(%dma_start3A_622 : memref<64x8192xf32, #tpu.memory_space<vmem>>) target(%dma_start3A_618 : memref<64x8192xf32, #tpu.memory_space<any>>) target_semaphore(%dma_start3A_614 : memref<!tpu.dma_semaphore, #tpu.memory_space<semaphore_mem>>)
    %eq3A_623 = arith.constant 17 : i32
    %eq3A_624 = arith.cmpi eq, %arg0, %eq3A_623 : i32
    %convert_element_type3A_625 = arith.extui %eq3A_624 : i1 to i32
    %cond3A_626 = arith.constant 0 : i32
    %cond3A_627 = arith.cmpi ne, %convert_element_type3A_625, %cond3A_626 : i32
    scf.if %cond3A_627 {
      %dma_wait3A = arith.constant 0 : i32
      %dma_wait3A_628 = arith.constant 0 : i32
      %dma_wait3A_629 = tpu.memref_slice %arg8[%dma_wait3A_628] : memref<8x!tpu.dma_semaphore, #tpu.memory_space<semaphore_mem>> -> memref<1x!tpu.dma_semaphore, #tpu.memory_space<semaphore_mem>>
      %dma_wait3A_630 = tpu.memref_squeeze %dma_wait3A_629 : memref<1x!tpu.dma_semaphore, #tpu.memory_space<semaphore_mem>> -> memref<!tpu.dma_semaphore, #tpu.memory_space<semaphore_mem>>
      %dma_wait3A_631 = arith.constant 0 : i32
      %dma_wait3A_632 = arith.constant 0 : i32
      %dma_wait3A_633 = tpu.memref_slice %arg6[%arg0, %dma_wait3A_631, %dma_wait3A_632] : memref<18x256x8192xf32, #tpu.memory_space<any>> -> memref<1x64x8192xf32, #tpu.memory_space<any>>
      %dma_wait3A_634 = tpu.memref_squeeze %dma_wait3A_633 : memref<1x64x8192xf32, #tpu.memory_space<any>> -> memref<64x8192xf32, #tpu.memory_space<any>>
      %dma_wait3A_635 = arith.constant 0 : i32
      %dma_wait3A_636 = arith.constant 0 : i32
      %dma_wait3A_637 = tpu.memref_slice %arg7[%dma_wait3A, %dma_wait3A_635, %dma_wait3A_636] : memref<8x64x8192xf32, #tpu.memory_space<vmem>> -> memref<1x64x8192xf32, #tpu.memory_space<vmem>>
      %dma_wait3A_638 = tpu.memref_squeeze %dma_wait3A_637 : memref<1x64x8192xf32, #tpu.memory_space<vmem>> -> memref<64x8192xf32, #tpu.memory_space<vmem>>
      tpu.wait_dma2 semaphore(%dma_wait3A_630 : memref<!tpu.dma_semaphore, #tpu.memory_space<semaphore_mem>>) src(%dma_wait3A_638 : memref<64x8192xf32, #tpu.memory_space<vmem>>) dst(%dma_wait3A_634 : memref<64x8192xf32, #tpu.memory_space<any>>)
      %dma_wait3A_639 = arith.constant 1 : i32
      %dma_wait3A_640 = arith.constant 1 : i32
      %dma_wait3A_641 = tpu.memref_slice %arg8[%dma_wait3A_640] : memref<8x!tpu.dma_semaphore, #tpu.memory_space<semaphore_mem>> -> memref<1x!tpu.dma_semaphore, #tpu.memory_space<semaphore_mem>>
      %dma_wait3A_642 = tpu.memref_squeeze %dma_wait3A_641 : memref<1x!tpu.dma_semaphore, #tpu.memory_space<semaphore_mem>> -> memref<!tpu.dma_semaphore, #tpu.memory_space<semaphore_mem>>
      %dma_wait3A_643 = arith.constant 0 : i32
      %dma_wait3A_644 = arith.constant 0 : i32
      %dma_wait3A_645 = tpu.memref_slice %arg6[%arg0, %dma_wait3A_643, %dma_wait3A_644] : memref<18x256x8192xf32, #tpu.memory_space<any>> -> memref<1x64x8192xf32, #tpu.memory_space<any>>
      %dma_wait3A_646 = tpu.memref_squeeze %dma_wait3A_645 : memref<1x64x8192xf32, #tpu.memory_space<any>> -> memref<64x8192xf32, #tpu.memory_space<any>>
      %dma_wait3A_647 = arith.constant 0 : i32
      %dma_wait3A_648 = arith.constant 0 : i32
      %dma_wait3A_649 = tpu.memref_slice %arg7[%dma_wait3A_639, %dma_wait3A_647, %dma_wait3A_648] : memref<8x64x8192xf32, #tpu.memory_space<vmem>> -> memref<1x64x8192xf32, #tpu.memory_space<vmem>>
      %dma_wait3A_650 = tpu.memref_squeeze %dma_wait3A_649 : memref<1x64x8192xf32, #tpu.memory_space<vmem>> -> memref<64x8192xf32, #tpu.memory_space<vmem>>
      tpu.wait_dma2 semaphore(%dma_wait3A_642 : memref<!tpu.dma_semaphore, #tpu.memory_space<semaphore_mem>>) src(%dma_wait3A_650 : memref<64x8192xf32, #tpu.memory_space<vmem>>) dst(%dma_wait3A_646 : memref<64x8192xf32, #tpu.memory_space<any>>)
      %dma_wait3A_651 = arith.constant 2 : i32
      %dma_wait3A_652 = arith.constant 2 : i32
      %dma_wait3A_653 = tpu.memref_slice %arg8[%dma_wait3A_652] : memref<8x!tpu.dma_semaphore, #tpu.memory_space<semaphore_mem>> -> memref<1x!tpu.dma_semaphore, #tpu.memory_space<semaphore_mem>>
      %dma_wait3A_654 = tpu.memref_squeeze %dma_wait3A_653 : memref<1x!tpu.dma_semaphore, #tpu.memory_space<semaphore_mem>> -> memref<!tpu.dma_semaphore, #tpu.memory_space<semaphore_mem>>
      %dma_wait3A_655 = arith.constant 0 : i32
      %dma_wait3A_656 = arith.constant 0 : i32
      %dma_wait3A_657 = tpu.memref_slice %arg6[%arg0, %dma_wait3A_655, %dma_wait3A_656] : memref<18x256x8192xf32, #tpu.memory_space<any>> -> memref<1x64x8192xf32, #tpu.memory_space<any>>
      %dma_wait3A_658 = tpu.memref_squeeze %dma_wait3A_657 : memref<1x64x8192xf32, #tpu.memory_space<any>> -> memref<64x8192xf32, #tpu.memory_space<any>>
      %dma_wait3A_659 = arith.constant 0 : i32
      %dma_wait3A_660 = arith.constant 0 : i32
      %dma_wait3A_661 = tpu.memref_slice %arg7[%dma_wait3A_651, %dma_wait3A_659, %dma_wait3A_660] : memref<8x64x8192xf32, #tpu.memory_space<vmem>> -> memref<1x64x8192xf32, #tpu.memory_space<vmem>>
      %dma_wait3A_662 = tpu.memref_squeeze %dma_wait3A_661 : memref<1x64x8192xf32, #tpu.memory_space<vmem>> -> memref<64x8192xf32, #tpu.memory_space<vmem>>
      tpu.wait_dma2 semaphore(%dma_wait3A_654 : memref<!tpu.dma_semaphore, #tpu.memory_space<semaphore_mem>>) src(%dma_wait3A_662 : memref<64x8192xf32, #tpu.memory_space<vmem>>) dst(%dma_wait3A_658 : memref<64x8192xf32, #tpu.memory_space<any>>)
      %dma_wait3A_663 = arith.constant 3 : i32
      %dma_wait3A_664 = arith.constant 3 : i32
      %dma_wait3A_665 = tpu.memref_slice %arg8[%dma_wait3A_664] : memref<8x!tpu.dma_semaphore, #tpu.memory_space<semaphore_mem>> -> memref<1x!tpu.dma_semaphore, #tpu.memory_space<semaphore_mem>>
      %dma_wait3A_666 = tpu.memref_squeeze %dma_wait3A_665 : memref<1x!tpu.dma_semaphore, #tpu.memory_space<semaphore_mem>> -> memref<!tpu.dma_semaphore, #tpu.memory_space<semaphore_mem>>
      %dma_wait3A_667 = arith.constant 0 : i32
      %dma_wait3A_668 = arith.constant 0 : i32
      %dma_wait3A_669 = tpu.memref_slice %arg6[%arg0, %dma_wait3A_667, %dma_wait3A_668] : memref<18x256x8192xf32, #tpu.memory_space<any>> -> memref<1x64x8192xf32, #tpu.memory_space<any>>
      %dma_wait3A_670 = tpu.memref_squeeze %dma_wait3A_669 : memref<1x64x8192xf32, #tpu.memory_space<any>> -> memref<64x8192xf32, #tpu.memory_space<any>>
      %dma_wait3A_671 = arith.constant 0 : i32
      %dma_wait3A_672 = arith.constant 0 : i32
      %dma_wait3A_673 = tpu.memref_slice %arg7[%dma_wait3A_663, %dma_wait3A_671, %dma_wait3A_672] : memref<8x64x8192xf32, #tpu.memory_space<vmem>> -> memref<1x64x8192xf32, #tpu.memory_space<vmem>>
      %dma_wait3A_674 = tpu.memref_squeeze %dma_wait3A_673 : memref<1x64x8192xf32, #tpu.memory_space<vmem>> -> memref<64x8192xf32, #tpu.memory_space<vmem>>
      tpu.wait_dma2 semaphore(%dma_wait3A_666 : memref<!tpu.dma_semaphore, #tpu.memory_space<semaphore_mem>>) src(%dma_wait3A_674 : memref<64x8192xf32, #tpu.memory_space<vmem>>) dst(%dma_wait3A_670 : memref<64x8192xf32, #tpu.memory_space<any>>)
      %dma_wait3A_675 = arith.constant 4 : i32
      %dma_wait3A_676 = arith.constant 4 : i32
      %dma_wait3A_677 = tpu.memref_slice %arg8[%dma_wait3A_676] : memref<8x!tpu.dma_semaphore, #tpu.memory_space<semaphore_mem>> -> memref<1x!tpu.dma_semaphore, #tpu.memory_space<semaphore_mem>>
      %dma_wait3A_678 = tpu.memref_squeeze %dma_wait3A_677 : memref<1x!tpu.dma_semaphore, #tpu.memory_space<semaphore_mem>> -> memref<!tpu.dma_semaphore, #tpu.memory_space<semaphore_mem>>
      %dma_wait3A_679 = arith.constant 0 : i32
      %dma_wait3A_680 = arith.constant 0 : i32
      %dma_wait3A_681 = tpu.memref_slice %arg6[%arg0, %dma_wait3A_679, %dma_wait3A_680] : memref<18x256x8192xf32, #tpu.memory_space<any>> -> memref<1x64x8192xf32, #tpu.memory_space<any>>
      %dma_wait3A_682 = tpu.memref_squeeze %dma_wait3A_681 : memref<1x64x8192xf32, #tpu.memory_space<any>> -> memref<64x8192xf32, #tpu.memory_space<any>>
      %dma_wait3A_683 = arith.constant 0 : i32
      %dma_wait3A_684 = arith.constant 0 : i32
      %dma_wait3A_685 = tpu.memref_slice %arg7[%dma_wait3A_675, %dma_wait3A_683, %dma_wait3A_684] : memref<8x64x8192xf32, #tpu.memory_space<vmem>> -> memref<1x64x8192xf32, #tpu.memory_space<vmem>>
      %dma_wait3A_686 = tpu.memref_squeeze %dma_wait3A_685 : memref<1x64x8192xf32, #tpu.memory_space<vmem>> -> memref<64x8192xf32, #tpu.memory_space<vmem>>
      tpu.wait_dma2 semaphore(%dma_wait3A_678 : memref<!tpu.dma_semaphore, #tpu.memory_space<semaphore_mem>>) src(%dma_wait3A_686 : memref<64x8192xf32, #tpu.memory_space<vmem>>) dst(%dma_wait3A_682 : memref<64x8192xf32, #tpu.memory_space<any>>)
      %dma_wait3A_687 = arith.constant 5 : i32
      %dma_wait3A_688 = arith.constant 5 : i32
      %dma_wait3A_689 = tpu.memref_slice %arg8[%dma_wait3A_688] : memref<8x!tpu.dma_semaphore, #tpu.memory_space<semaphore_mem>> -> memref<1x!tpu.dma_semaphore, #tpu.memory_space<semaphore_mem>>
      %dma_wait3A_690 = tpu.memref_squeeze %dma_wait3A_689 : memref<1x!tpu.dma_semaphore, #tpu.memory_space<semaphore_mem>> -> memref<!tpu.dma_semaphore, #tpu.memory_space<semaphore_mem>>
      %dma_wait3A_691 = arith.constant 0 : i32
      %dma_wait3A_692 = arith.constant 0 : i32
      %dma_wait3A_693 = tpu.memref_slice %arg6[%arg0, %dma_wait3A_691, %dma_wait3A_692] : memref<18x256x8192xf32, #tpu.memory_space<any>> -> memref<1x64x8192xf32, #tpu.memory_space<any>>
      %dma_wait3A_694 = tpu.memref_squeeze %dma_wait3A_693 : memref<1x64x8192xf32, #tpu.memory_space<any>> -> memref<64x8192xf32, #tpu.memory_space<any>>
      %dma_wait3A_695 = arith.constant 0 : i32
      %dma_wait3A_696 = arith.constant 0 : i32
      %dma_wait3A_697 = tpu.memref_slice %arg7[%dma_wait3A_687, %dma_wait3A_695, %dma_wait3A_696] : memref<8x64x8192xf32, #tpu.memory_space<vmem>> -> memref<1x64x8192xf32, #tpu.memory_space<vmem>>
      %dma_wait3A_698 = tpu.memref_squeeze %dma_wait3A_697 : memref<1x64x8192xf32, #tpu.memory_space<vmem>> -> memref<64x8192xf32, #tpu.memory_space<vmem>>
      tpu.wait_dma2 semaphore(%dma_wait3A_690 : memref<!tpu.dma_semaphore, #tpu.memory_space<semaphore_mem>>) src(%dma_wait3A_698 : memref<64x8192xf32, #tpu.memory_space<vmem>>) dst(%dma_wait3A_694 : memref<64x8192xf32, #tpu.memory_space<any>>)
      %dma_wait3A_699 = arith.constant 6 : i32
      %dma_wait3A_700 = arith.constant 6 : i32
      %dma_wait3A_701 = tpu.memref_slice %arg8[%dma_wait3A_700] : memref<8x!tpu.dma_semaphore, #tpu.memory_space<semaphore_mem>> -> memref<1x!tpu.dma_semaphore, #tpu.memory_space<semaphore_mem>>
      %dma_wait3A_702 = tpu.memref_squeeze %dma_wait3A_701 : memref<1x!tpu.dma_semaphore, #tpu.memory_space<semaphore_mem>> -> memref<!tpu.dma_semaphore, #tpu.memory_space<semaphore_mem>>
      %dma_wait3A_703 = arith.constant 0 : i32
      %dma_wait3A_704 = arith.constant 0 : i32
      %dma_wait3A_705 = tpu.memref_slice %arg6[%arg0, %dma_wait3A_703, %dma_wait3A_704] : memref<18x256x8192xf32, #tpu.memory_space<any>> -> memref<1x64x8192xf32, #tpu.memory_space<any>>
      %dma_wait3A_706 = tpu.memref_squeeze %dma_wait3A_705 : memref<1x64x8192xf32, #tpu.memory_space<any>> -> memref<64x8192xf32, #tpu.memory_space<any>>
      %dma_wait3A_707 = arith.constant 0 : i32
      %dma_wait3A_708 = arith.constant 0 : i32
      %dma_wait3A_709 = tpu.memref_slice %arg7[%dma_wait3A_699, %dma_wait3A_707, %dma_wait3A_708] : memref<8x64x8192xf32, #tpu.memory_space<vmem>> -> memref<1x64x8192xf32, #tpu.memory_space<vmem>>
      %dma_wait3A_710 = tpu.memref_squeeze %dma_wait3A_709 : memref<1x64x8192xf32, #tpu.memory_space<vmem>> -> memref<64x8192xf32, #tpu.memory_space<vmem>>
      tpu.wait_dma2 semaphore(%dma_wait3A_702 : memref<!tpu.dma_semaphore, #tpu.memory_space<semaphore_mem>>) src(%dma_wait3A_710 : memref<64x8192xf32, #tpu.memory_space<vmem>>) dst(%dma_wait3A_706 : memref<64x8192xf32, #tpu.memory_space<any>>)
      %dma_wait3A_711 = arith.constant 7 : i32
      %dma_wait3A_712 = arith.constant 7 : i32
      %dma_wait3A_713 = tpu.memref_slice %arg8[%dma_wait3A_712] : memref<8x!tpu.dma_semaphore, #tpu.memory_space<semaphore_mem>> -> memref<1x!tpu.dma_semaphore, #tpu.memory_space<semaphore_mem>>
      %dma_wait3A_714 = tpu.memref_squeeze %dma_wait3A_713 : memref<1x!tpu.dma_semaphore, #tpu.memory_space<semaphore_mem>> -> memref<!tpu.dma_semaphore, #tpu.memory_space<semaphore_mem>>
      %dma_wait3A_715 = arith.constant 0 : i32
      %dma_wait3A_716 = arith.constant 0 : i32
      %dma_wait3A_717 = tpu.memref_slice %arg6[%arg0, %dma_wait3A_715, %dma_wait3A_716] : memref<18x256x8192xf32, #tpu.memory_space<any>> -> memref<1x64x8192xf32, #tpu.memory_space<any>>
      %dma_wait3A_718 = tpu.memref_squeeze %dma_wait3A_717 : memref<1x64x8192xf32, #tpu.memory_space<any>> -> memref<64x8192xf32, #tpu.memory_space<any>>
      %dma_wait3A_719 = arith.constant 0 : i32
      %dma_wait3A_720 = arith.constant 0 : i32
      %dma_wait3A_721 = tpu.memref_slice %arg7[%dma_wait3A_711, %dma_wait3A_719, %dma_wait3A_720] : memref<8x64x8192xf32, #tpu.memory_space<vmem>> -> memref<1x64x8192xf32, #tpu.memory_space<vmem>>
      %dma_wait3A_722 = tpu.memref_squeeze %dma_wait3A_721 : memref<1x64x8192xf32, #tpu.memory_space<vmem>> -> memref<64x8192xf32, #tpu.memory_space<vmem>>
      tpu.wait_dma2 semaphore(%dma_wait3A_714 : memref<!tpu.dma_semaphore, #tpu.memory_space<semaphore_mem>>) src(%dma_wait3A_722 : memref<64x8192xf32, #tpu.memory_space<vmem>>) dst(%dma_wait3A_718 : memref<64x8192xf32, #tpu.memory_space<any>>)
    } else {
    }
    return
  }
  func.func @transform_0(%arg0: i32) -> (i32, i32, i32) {
    %c0_i32 = arith.constant 0 : i32
    %c0_i32_0 = arith.constant 0 : i32
    %c0_i32_1 = arith.constant 0 : i32
    return %arg0, %c0_i32, %c0_i32_0 : i32, i32, i32
  }
  func.func @transform_1(%arg0: i32) -> (i32, i32) {
    %c0_i32 = arith.constant 0 : i32
    %c0_i32_0 = arith.constant 0 : i32
    %c0_i32_1 = arith.constant 0 : i32
    return %c0_i32, %c0_i32_0 : i32, i32
  }
  func.func @transform_2(%arg0: i32) -> (i32, i32, i32) {
    %c0_i32 = arith.constant 0 : i32
    %c0_i32_0 = arith.constant 0 : i32
    %c0_i32_1 = arith.constant 0 : i32
    return %arg0, %c0_i32, %c0_i32_0 : i32, i32, i32
  }
  func.func @transform_3(%arg0: i32) -> (i32, i32) {
    %c0_i32 = arith.constant 0 : i32
    %c0_i32_0 = arith.constant 0 : i32
    %c0_i32_1 = arith.constant 0 : i32
    return %c0_i32, %c0_i32_0 : i32, i32
  }
  func.func @transform_4(%arg0: i32) -> (i32, i32, i32) {
    %c0_i32 = arith.constant 0 : i32
    %c0_i32_0 = arith.constant 0 : i32
    %c0_i32_1 = arith.constant 0 : i32
    return %arg0, %c0_i32, %c0_i32_0 : i32, i32, i32
  }
}

module attributes {stable_mosaic.version = 14 : i64} {
  func.func @_k4_body(%arg0: i32, %arg1: memref<8x576xi32, #tpu.memory_space<vmem>>, %arg2: memref<32x16xf32, #tpu.memory_space<vmem>>, %arg3: memref<1x1xf32, #tpu.memory_space<vmem>>, %arg4: memref<1x1xf32, #tpu.memory_space<vmem>>) attributes {dimension_semantics = [#tpu.dimension_semantics<arbitrary>], iteration_bounds = array<i64: 1>, scalar_prefetch = 0 : i64, scratch_operands = 0 : i64, tpu.core_type = #tpu.core_type<tc>, window_params = [{pipeline_mode = #tpu.pipeline_mode<synchronous>, transform_indices = @transform_0, window_bounds = array<i64: 8, 576>}, {pipeline_mode = #tpu.pipeline_mode<synchronous>, transform_indices = @transform_1, window_bounds = array<i64: 32, 16>}, {pipeline_mode = #tpu.pipeline_mode<synchronous>, transform_indices = @transform_2, window_bounds = array<i64: 1, 1>}, {pipeline_mode = #tpu.pipeline_mode<synchronous>, transform_indices = @transform_3, window_bounds = array<i64: 1, 1>}]} {
    %get3A = arith.constant 0 : index
    %get3A_0 = arith.constant 0 : index
    %get3A_1 = vector.load %arg1[%get3A, %get3A_0] : memref<8x576xi32, #tpu.memory_space<vmem>>, vector<8x576xi32>
    %broadcast_in_dim3A = arith.constant 0.000000e+00 : f32
    %broadcast_in_dim3A_2 = vector.broadcast %broadcast_in_dim3A : f32 to vector<8x576xf32>
    %slice3A = vector.extract_strided_slice %get3A_1 {offsets = [0, 0], sizes = [1, 576], strides = [1, 1]} : vector<8x576xi32> to vector<1x576xi32>
    %eq3A = vector.broadcast %slice3A : vector<1x576xi32> to vector<8x576xi32>
    %eq3A_3 = arith.cmpi eq, %get3A_1, %eq3A : vector<8x576xi32>
    %convert_element_type3A = arith.extui %eq3A_3 : vector<8x576xi1> to vector<8x576xi32>
    %convert_element_type3A_4 = arith.sitofp %convert_element_type3A : vector<8x576xi32> to vector<8x576xf32>
    %add3A = arith.addf %broadcast_in_dim3A_2, %convert_element_type3A_4 : vector<8x576xf32>
    %slice3A_5 = vector.extract_strided_slice %get3A_1 {offsets = [1, 0], sizes = [1, 576], strides = [1, 1]} : vector<8x576xi32> to vector<1x576xi32>
    %eq3A_6 = vector.broadcast %slice3A_5 : vector<1x576xi32> to vector<8x576xi32>
    %eq3A_7 = arith.cmpi eq, %get3A_1, %eq3A_6 : vector<8x576xi32>
    %convert_element_type3A_8 = arith.extui %eq3A_7 : vector<8x576xi1> to vector<8x576xi32>
    %convert_element_type3A_9 = arith.sitofp %convert_element_type3A_8 : vector<8x576xi32> to vector<8x576xf32>
    %add3A_10 = arith.addf %add3A, %convert_element_type3A_9 : vector<8x576xf32>
    %slice3A_11 = vector.extract_strided_slice %get3A_1 {offsets = [2, 0], sizes = [1, 576], strides = [1, 1]} : vector<8x576xi32> to vector<1x576xi32>
    %eq3A_12 = vector.broadcast %slice3A_11 : vector<1x576xi32> to vector<8x576xi32>
    %eq3A_13 = arith.cmpi eq, %get3A_1, %eq3A_12 : vector<8x576xi32>
    %convert_element_type3A_14 = arith.extui %eq3A_13 : vector<8x576xi1> to vector<8x576xi32>
    %convert_element_type3A_15 = arith.sitofp %convert_element_type3A_14 : vector<8x576xi32> to vector<8x576xf32>
    %add3A_16 = arith.addf %add3A_10, %convert_element_type3A_15 : vector<8x576xf32>
    %slice3A_17 = vector.extract_strided_slice %get3A_1 {offsets = [3, 0], sizes = [1, 576], strides = [1, 1]} : vector<8x576xi32> to vector<1x576xi32>
    %eq3A_18 = vector.broadcast %slice3A_17 : vector<1x576xi32> to vector<8x576xi32>
    %eq3A_19 = arith.cmpi eq, %get3A_1, %eq3A_18 : vector<8x576xi32>
    %convert_element_type3A_20 = arith.extui %eq3A_19 : vector<8x576xi1> to vector<8x576xi32>
    %convert_element_type3A_21 = arith.sitofp %convert_element_type3A_20 : vector<8x576xi32> to vector<8x576xf32>
    %add3A_22 = arith.addf %add3A_16, %convert_element_type3A_21 : vector<8x576xf32>
    %slice3A_23 = vector.extract_strided_slice %get3A_1 {offsets = [4, 0], sizes = [1, 576], strides = [1, 1]} : vector<8x576xi32> to vector<1x576xi32>
    %eq3A_24 = vector.broadcast %slice3A_23 : vector<1x576xi32> to vector<8x576xi32>
    %eq3A_25 = arith.cmpi eq, %get3A_1, %eq3A_24 : vector<8x576xi32>
    %convert_element_type3A_26 = arith.extui %eq3A_25 : vector<8x576xi1> to vector<8x576xi32>
    %convert_element_type3A_27 = arith.sitofp %convert_element_type3A_26 : vector<8x576xi32> to vector<8x576xf32>
    %add3A_28 = arith.addf %add3A_22, %convert_element_type3A_27 : vector<8x576xf32>
    %slice3A_29 = vector.extract_strided_slice %get3A_1 {offsets = [5, 0], sizes = [1, 576], strides = [1, 1]} : vector<8x576xi32> to vector<1x576xi32>
    %eq3A_30 = vector.broadcast %slice3A_29 : vector<1x576xi32> to vector<8x576xi32>
    %eq3A_31 = arith.cmpi eq, %get3A_1, %eq3A_30 : vector<8x576xi32>
    %convert_element_type3A_32 = arith.extui %eq3A_31 : vector<8x576xi1> to vector<8x576xi32>
    %convert_element_type3A_33 = arith.sitofp %convert_element_type3A_32 : vector<8x576xi32> to vector<8x576xf32>
    %add3A_34 = arith.addf %add3A_28, %convert_element_type3A_33 : vector<8x576xf32>
    %slice3A_35 = vector.extract_strided_slice %get3A_1 {offsets = [6, 0], sizes = [1, 576], strides = [1, 1]} : vector<8x576xi32> to vector<1x576xi32>
    %eq3A_36 = vector.broadcast %slice3A_35 : vector<1x576xi32> to vector<8x576xi32>
    %eq3A_37 = arith.cmpi eq, %get3A_1, %eq3A_36 : vector<8x576xi32>
    %convert_element_type3A_38 = arith.extui %eq3A_37 : vector<8x576xi1> to vector<8x576xi32>
    %convert_element_type3A_39 = arith.sitofp %convert_element_type3A_38 : vector<8x576xi32> to vector<8x576xf32>
    %add3A_40 = arith.addf %add3A_34, %convert_element_type3A_39 : vector<8x576xf32>
    %slice3A_41 = vector.extract_strided_slice %get3A_1 {offsets = [7, 0], sizes = [1, 576], strides = [1, 1]} : vector<8x576xi32> to vector<1x576xi32>
    %eq3A_42 = vector.broadcast %slice3A_41 : vector<1x576xi32> to vector<8x576xi32>
    %eq3A_43 = arith.cmpi eq, %get3A_1, %eq3A_42 : vector<8x576xi32>
    %convert_element_type3A_44 = arith.extui %eq3A_43 : vector<8x576xi1> to vector<8x576xi32>
    %convert_element_type3A_45 = arith.sitofp %convert_element_type3A_44 : vector<8x576xi32> to vector<8x576xf32>
    %add3A_46 = arith.addf %add3A_40, %convert_element_type3A_45 : vector<8x576xf32>
    %mul3A = arith.constant 1.250000e-01 : f32
    %mul3A_47 = vector.broadcast %mul3A : f32 to vector<8x576xf32>
    %mul3A_48 = arith.mulf %add3A_46, %mul3A_47 : vector<8x576xf32>
    %add3A_49 = arith.constant 1.000000e-10 : f32
    %add3A_50 = vector.broadcast %add3A_49 : f32 to vector<8x576xf32>
    %add3A_51 = arith.addf %mul3A_48, %add3A_50 : vector<8x576xf32>
    %log3A = math.log %add3A_51 : vector<8x576xf32>
    %mul3A_52 = arith.constant -1.250000e-01 : f32
    %mul3A_53 = vector.broadcast %mul3A_52 : f32 to vector<8x576xf32>
    %mul3A_54 = arith.mulf %mul3A_53, %log3A : vector<8x576xf32>
    %reduce_sum3A = vector.shape_cast %mul3A_54 : vector<8x576xf32> to vector<1x8x576xf32>
    %reduce_sum3A_55 = arith.constant dense<0.000000e+00> : vector<1xf32>
    %reduce_sum3A_56 = vector.multi_reduction <add>, %reduce_sum3A, %reduce_sum3A_55 [1, 2] : vector<1x8x576xf32> to vector<1xf32>
    %reduce_sum3A_57 = vector.shape_cast %reduce_sum3A_56 : vector<1xf32> to vector<1x1x1xf32>
    %reduce_sum3A_58 = vector.extract %reduce_sum3A_57[0, 0, 0] : f32 from vector<1x1x1xf32>
    %exp3A = math.exp %reduce_sum3A_58 : f32
    %reshape3A = vector.broadcast %exp3A : f32 to vector<1x1xf32>
    %swap3A = arith.constant 0 : index
    %swap3A_59 = arith.constant 0 : index
    %swap3A_60 = vector.load %arg4[%swap3A, %swap3A_59] : memref<1x1xf32, #tpu.memory_space<vmem>>, vector<1x1xf32>
    tpu.vector_store %arg4[%swap3A, %swap3A_59], %reshape3A {strides = array<i32>} : memref<1x1xf32, #tpu.memory_space<vmem>>, vector<1x1xf32>,
    %get3A_61 = arith.constant 0 : index
    %get3A_62 = arith.constant 0 : index
    %get3A_63 = vector.load %arg2[%get3A_61, %get3A_62] : memref<32x16xf32, #tpu.memory_space<vmem>>, vector<32x16xf32>
    %reduce_sum3A_64 = vector.shape_cast %get3A_63 : vector<32x16xf32> to vector<1x32x16xf32>
    %reduce_sum3A_65 = arith.constant dense<0.000000e+00> : vector<1xf32>
    %reduce_sum3A_66 = vector.multi_reduction <add>, %reduce_sum3A_64, %reduce_sum3A_65 [1, 2] : vector<1x32x16xf32> to vector<1xf32>
    %reduce_sum3A_67 = vector.shape_cast %reduce_sum3A_66 : vector<1xf32> to vector<1x1x1xf32>
    %reduce_sum3A_68 = vector.extract %reduce_sum3A_67[0, 0, 0] : f32 from vector<1x1x1xf32>
    %div3A = arith.constant 0x49900000 : f32
    %div3A_69 = arith.divf %reduce_sum3A_68, %div3A : f32
    %mul3A_70 = arith.constant 2.500000e-01 : f32
    %mul3A_71 = arith.mulf %mul3A_70, %div3A_69 : f32
    %reshape3A_72 = vector.broadcast %mul3A_71 : f32 to vector<1x1xf32>
    %swap3A_73 = arith.constant 0 : index
    %swap3A_74 = arith.constant 0 : index
    %swap3A_75 = vector.load %arg3[%swap3A_73, %swap3A_74] : memref<1x1xf32, #tpu.memory_space<vmem>>, vector<1x1xf32>
    tpu.vector_store %arg3[%swap3A_73, %swap3A_74], %reshape3A_72 {strides = array<i32>} : memref<1x1xf32, #tpu.memory_space<vmem>>, vector<1x1xf32>,
    return
  }
  func.func @transform_0(%arg0: i32) -> (i32, i32) {
    %c0_i32 = arith.constant 0 : i32
    %c0_i32_0 = arith.constant 0 : i32
    %c0_i32_1 = arith.constant 0 : i32
    return %c0_i32, %c0_i32_0 : i32, i32
  }
  func.func @transform_1(%arg0: i32) -> (i32, i32) {
    %c0_i32 = arith.constant 0 : i32
    %c0_i32_0 = arith.constant 0 : i32
    %c0_i32_1 = arith.constant 0 : i32
    return %c0_i32, %c0_i32_0 : i32, i32
  }
  func.func @transform_2(%arg0: i32) -> (i32, i32) {
    %c0_i32 = arith.constant 0 : i32
    %c0_i32_0 = arith.constant 0 : i32
    %c0_i32_1 = arith.constant 0 : i32
    return %c0_i32, %c0_i32_0 : i32, i32
  }
  func.func @transform_3(%arg0: i32) -> (i32, i32) {
    %c0_i32 = arith.constant 0 : i32
    %c0_i32_0 = arith.constant 0 : i32
    %c0_i32_1 = arith.constant 0 : i32
    return %c0_i32, %c0_i32_0 : i32, i32
  }
}

</mosaic_0001>

<sc_bundles>
// kernel: kernel.5.cloned.1.call-start
scs
__scs_entry_jumppad:
0x0: {  	(pc) =	sbr.rel $0x88, $3  }
0x1: {  	(tag) =	ssettag $0x0;
	lr =	simm.s32 $0x1  }
0x2: {  	[smem:$0x3F9F] =	sst lr;
	_ =	strace $0xD0000000  }
0x3: {  	_ = 	snop  }
0x4: {  	_ = 	snop  }
0x5: {  	_ = 	snop  }
0x6: {  	_ = 	snop  }
0x7: {  	_ = 	snop  }
__scs_overlays_trampoline_lowered:
0x8: {  	[smem:$0x3FAE] =	sst s0  }
0x9: {  	[smem:$0x3FAF] =	sst s1  }
0xa: {  	[smem:$0x3FB0] =	sst s2  }
0xb: {  	[smem:$0x3FB1] =	sst s3  }
0xc: {  	[smem:$0x3FB2] =	sst s4  }
0xd: {  	[smem:$0x3FB3] =	sst s5  }
0xe: {  	[smem:$0x3FB4] =	sst s6  }
0xf: {  	[smem:$0x3FB5] =	sst s7  }
0x10: {  	[smem:$0x3FB6] =	sst s8  }
0x11: {  	[smem:$0x3FB7] =	sst s9;
	s0 =	simm.s32 @!p0 $0x0  }
0x12: {  	s1 =	sld [smem:$0x3F9D];
	s0 =	simm.s32 @p0 $0x1  }
0x13: {  	[smem:$0x3FB8] =	sst s0;
	s0 =	simm.s32 @!p1 $0x0  }
0x14: {  	s2 =	sld [smem:$0x3F9C];
	s0 =	simm.s32 @p1 $0x1  }
0x15: {  	[smem:$0x3FB9] =	sst s0;
	s0 =	simm.s32 @!p2 $0x0  }
0x16: {  	s3 =	sld [smem:$0x3FDB];
	s0 =	simm.s32 @p2 $0x1  }
0x17: {  	s4 =	simm.s32 $0x1BF5;
	[smem:$0x3FBB] =	sst s0  }
0x18: {  	s0 =	sld [smem:$0x3F9E];
	_ =	swait.ge [sflag:s4], $0x0  }
0x19: {  	s7 =	sld [smem:$0x3F9F]  }
0x1a: {  	s8 =	sadd.s32 $0xFFFFE003, lr  }
0x1b: {  	s9 =	sadd.s32 $0xFFFFFEF7, lr;
	s5 =	simm.s32 $0xFFFFFFFF;
	p2 =	slt.u32 s8, $0xFFFFF086  }
0x1c: {  	p1 =	slt.u32 s9, $0xF7A;
	s5 =	simm.s32 @!p2 $0x0  }
0x1d: {  	s5 =	simm.s32 @p1 $0x1;
	p0 =	seq.s32 s7, s2  }
0x1e: {  	s7 =	smul.u32 @!p0 $0xF7A, s2;
	p2 =	seq.s32 @!p0 s5, $0x0  }
0x1f: {  	s9 =	smul.u32 $0xF7A, s1;
	s8 =	simm.s32 @!p0 $0x1BF5;
	p2 =	por !p2, p0  }
0x20: {  	[sflag:s8] =	ssyncset.s32 @!p0 $0xFFFFF086;
	s6 =	sadd.s32 @!p0 s3, s7;
	s7 =	simm.s32 @!p0 $0x108  }
0x21: {  	s3 =	sadd.s32 s3, s9;
	s6 =	sadd.s32 @!p0 $0x88, s6;
	s7 =	simm.s32 @p2 $0x1082  }
0x22: {  	[simem:s7], [sflag:s8] =	dma.local @!p0 [hbm:s6], $0xF7A  }
0x23: {  	s9 =	sor.u32 $0xD0000000, s2;
	s6 =	simm.s32 $0x108;
	_ =	swait.ge @!p0 [sflag:s8], $0x0  }
0x24: {  	s3 =	sadd.s32 $0x88, s3;
	s6 =	simm.s32 @!p1 $0x1082;
	[sflag:s4] =	ssyncset.s32 $0xFFFFF086  }
0x25: {  	[simem:s6], [sflag:s4] =	dma.local [hbm:s3], $0xF7A  }
0x26: {  	[smem:$0x3F9F] =	sst s1;
	(tag) =	ssettag s2;
	_ =	strace s9  }
0x27: {  	s1 =	sld [smem:$0x3FAF]  }
0x28: {  	s2 =	sld [smem:$0x3FB0]  }
0x29: {  	s4 =	sld [smem:$0x3FB2]  }
0x2a: {  	p0 =	seq.s32 s5, $0x0;
	s5 =	sld [smem:$0x3FB3]  }
0x2b: {  	s6 =	sld [smem:$0x3FB4]  }
0x2c: {  	s7 =	sld [smem:$0x3FB5]  }
0x2d: {  	s3 =	simm.s32 $0x108;
	s8 =	sld [smem:$0x3FB6]  }
0x2e: {  	s3 =	simm.s32 @!p0 $0x1082;
	s9 =	sld [smem:$0x3FB7]  }
0x2f: {  	lr =	sadd.s32 s0, s3;
	s0 =	sld [smem:$0x3FAE]  }
0x30: {  	s3 =	sld [smem:$0x3FB1]  }
0x31: {  	[smem:$0x3FBA] =	sst s10  }
0x32: {  	s10 =	sld [smem:$0x3FB8];
	_ =	sdelay $0x3  }
0x33: {  	p0 =	seq.s32 s10, $0x1;
	s10 =	sld [smem:$0x3FBA];
	_ =	sdelay $0x3  }
0x34: {  	[smem:$0x3FBA] =	sst s10  }
0x35: {  	s10 =	sld [smem:$0x3FB9];
	_ =	sdelay $0x3  }
0x36: {  	p1 =	seq.s32 s10, $0x1;
	s10 =	sld [smem:$0x3FBA];
	_ =	sdelay $0x3  }
0x37: {  	[smem:$0x3FBA] =	sst s10  }
0x38: {  	s10 =	sld [smem:$0x3FBB]  }
0x39: {  	_ = 	snop;
	(pc) =	sbr.ind lr, $3  }
0x3a: {  	_ = 	snop  }
0x3b: {  	_ = 	snop  }
0x3c: {  	p2 =	seq.s32 s10, $0x1;
	s10 =	sld [smem:$0x3FBA]  }
0x3d: {  	_ =	shalt  }
0x3e: {  	_ =	shalt  }
0x3f: {  	_ =	shalt  }
0x40: {  	_ =	shalt  }
0x41: {  	_ =	shalt  }
0x42: {  	_ =	shalt  }
0x43: {  	_ =	shalt  }
0x44: {  	_ =	shalt  }
0x45: {  	_ =	shalt  }
0x46: {  	_ =	shalt  }
0x47: {  	_ =	shalt  }
0x48: {  	_ =	shalt  }
0x49: {  	_ =	shalt  }
0x4a: {  	_ =	shalt  }
0x4b: {  	_ =	shalt  }
0x4c: {  	_ =	shalt  }
0x4d: {  	_ =	shalt  }
0x4e: {  	_ =	shalt  }
0x4f: {  	_ =	shalt  }
0x50: {  	_ =	shalt  }
0x51: {  	_ =	shalt  }
0x52: {  	_ =	shalt  }
0x53: {  	_ =	shalt  }
0x54: {  	_ =	shalt  }
0x55: {  	_ =	shalt  }
0x56: {  	_ =	shalt  }
0x57: {  	_ =	shalt  }
0x58: {  	_ =	shalt  }
0x59: {  	_ =	shalt  }
0x5a: {  	_ =	shalt  }
0x5b: {  	_ =	shalt  }
0x5c: {  	_ =	shalt  }
0x5d: {  	_ =	shalt  }
0x5e: {  	_ =	shalt  }
0x5f: {  	_ =	shalt  }
0x60: {  	_ =	shalt  }
0x61: {  	_ =	shalt  }
0x62: {  	_ =	shalt  }
0x63: {  	_ =	shalt  }
0x64: {  	_ =	shalt  }
0x65: {  	_ =	shalt  }
0x66: {  	_ =	shalt  }
0x67: {  	_ =	shalt  }
0x68: {  	_ =	shalt  }
0x69: {  	_ =	shalt  }
0x6a: {  	_ =	shalt  }
0x6b: {  	_ =	shalt  }
0x6c: {  	_ =	shalt  }
0x6d: {  	_ =	shalt  }
0x6e: {  	_ =	shalt  }
0x6f: {  	_ =	shalt  }
0x70: {  	_ =	shalt  }
0x71: {  	_ =	shalt  }
0x72: {  	_ =	shalt  }
0x73: {  	_ =	shalt  }
0x74: {  	_ =	shalt  }
0x75: {  	_ =	shalt  }
0x76: {  	_ =	shalt  }
0x77: {  	_ =	shalt  }
0x78: {  	_ =	shalt  }
0x79: {  	_ =	shalt  }
0x7a: {  	_ =	shalt  }
0x7b: {  	_ =	shalt  }
0x7c: {  	_ =	shalt  }
0x7d: {  	_ =	shalt  }
0x7e: {  	_ =	shalt  }
0x7f: {  	_ =	shalt  }
0x80: {  	_ =	shalt  }
0x81: {  	_ =	shalt  }
0x82: {  	_ =	shalt  }
0x83: {  	_ =	shalt  }
0x84: {  	_ =	shalt  }
0x85: {  	_ =	shalt  }
0x86: {  	_ =	shalt  }
0x87: {  	_ =	shalt  }
.Lfunc_end0:
.L_simem_size_0:
called_computation_lowered:
.L_overlay_start_0:
0x88: {  	s2 =	sld [smem:$0x3FD9]  }
0x89: {  	s3 =	sld [smem:$0x3FFE];
	_ =	sdelay $0x1  }
0x8a: {  	s1 =	srdreg.scid  }
0x8b: {  	s0 =	sand.u32 $0x1, s1  }
0x8c: {  	s14 =	sshll.u32 s0, $0xA;
	s2 =	sadd.s32 s3, s2  }
0x8d: {  	s2 =	sadd.s32 s2, s14  }
0x8e: {  	[smem:$0x3FC6] =	sst s2  }
0x8f: {  	_ = 	snop  }
0x90: {  	s2 =	sld [smem:$0x3FD0];
	_ =	sdelay $0x1  }
0x91: {  	s15 =	sld [smem:$0x3FC9]  }
0x92: {  	s5 =	simm.s32 $0xA;
	s6 =	simm.s32 $0x10;
	s4 =	sld [smem:$0x3FC8]  }
0x93: {  	[smem:s6], [sflag:s5] =	dma.local [hbm:s2], $0x1  }
0x94: {  	_ =	swait.eq [sflag:s5], $0x1  }
0x95: {  	[sflag:s5] =	ssyncset.done $0x0  }
0x96: {  	[sflag:s5] =	ssyncadd.s32 $0xFFFFFFFF  }
0x97: {  	s16 =	sld [smem:$0x11];
	(tm) =	ssettm $0x1  }
0x98: {  	s17 =	sld [smem:$0x3FFB];
	_ =	sdelay $0x3  }
0x99: {  	_ =	strace s17  }
0x9a: {  	s5 =	sld [smem:$0x3FFC];
	_ =	sdelay $0x3  }
0x9b: {  	_ =	strace s5  }
0x9c: {  	s5 =	sld [smem:$0x3FFD];
	_ =	sdelay $0x3  }
0x9d: {  	_ =	strace s5  }
0x9e: {  	_ =	strace $0x8FFFFFFF  }
0x9f: {  	s18 =	sld [smem:$0x3FDB];
	_ =	sdelay $0x1  }
0xa0: {  	s19 =	simm.s32 $_scs_section_size  }
0xa1: {  	s7 =	simm.s32 $_size__tile_overlayer_lowered;
	s8 =	simm.s32 $_tile_overlayer_lowered  }
0xa2: {  	s22 =	simm.s32 $0x1BFF;
	s21 =	sshll.u32 s8, $0x1;
	s5 =	sadd.s32 s19, s18  }
0xa3: {  	s9 =	simm.s32 $0x0;
	s20 =	sshll.u32 s7, $0x1;
	s7 =	sadd.s32 s21, s5  }
0xa4: {  	[timem:s9], [sflag:s22] =	dma.local [hbm:s7], s20  }
0xa5: {  	_ =	swait.ge [sflag:s22], s20  }
0xa6: {  	s6 =	ssub.s32 $0x0, s20;
	[sflag:s22] =	ssyncset.done $0x0  }
0xa7: {  	[sflag:s22] =	ssyncadd.s32 s6;
	_ =	sdelay $0x1  }
0xa8: {  	s23 =	simm.s32 $0x1B8B  }
0xa9: {  	_ =	swait.ge [sflag:s23], $0x1  }
0xaa: {  	[sflag:s23] =	ssyncset.done $0x0  }
0xab: {  	s25 =	simm.s32 $0x1B8E;
	s24 =	sld [smem:$0x3FFE];
	[sflag:s23] =	ssyncadd.s32 $0xFFFFFFFF  }
0xac: {  	s26 =	simm.s32 $execute0_lowered;
	[smem:$0x3FD2] =	sst s25  }
0xad: {  	s7 =	sshll.u32 s26, $0x1;
	_ =	strace $0x80000046;
	[dreg:$0x1] =	wrdreg $0xFFFFFFFF  }
0xae: {  	s28 =	simm.s32 $_size_execute0_lowered;
	s5 =	sadd.s32 s5, s7;
	[dreg:$0x0] =	wrdreg $0x0  }
0xaf: {  	s7 =	sshll.u32 s28, $0x1;
	[dreg:$0x2] =	wrdreg s5  }
0xb0: {  	[dreg:$0x3] =	wrdreg s7  }
0xb1: {  	[dreg:$0x4] =	wrdreg $0xC0  }
0xb2: {  	_ =	task [dreg:s9], $0x5FFFF  }
0xb3: {  	[dreg:$0x1] =	wrdreg $0xFFFFFFFF  }
0xb4: {  	[dreg:$0x0] =	wrdreg $0x60  }
0xb5: {  	[dreg:$0x2] =	wrdreg s4  }
0xb6: {  	[dreg:$0x3] =	wrdreg s16  }
0xb7: {  	[dreg:$0x4] =	wrdreg s15  }
0xb8: {  	[dreg:$0x5] =	wrdreg s24  }
0xb9: {  	[dreg:$0x6] =	wrdreg $0x9  }
0xba: {  	_ =	task.clear_ibuf [dreg:s9], $0x7FFFF;
	_ =	strace $0x90000046  }
0xbb: {  	s29 =	simm.s32 $0x9;
	_ =	strace $0x80000048  }
0xbc: {  	_ =	swait.ge [sflag:s29], $0x1  }
0xbd: {  	[sflag:s29] =	ssyncadd.s32 $0xFFFFFFFF  }
0xbe: {  	_ =	strace $0x90000048  }
0xbf: {  	_ =	sfence  }
0xc0: {  	s30 =	sld [smem:$0x0];
	_ =	sdelay $0x2  }
0xc1: {  	s31 =	sshll.u32 s1, $0xD;
	s1 =	sshrl.u32 s1, $0x2  }
0xc2: {  	s3 =	sand.u32 $0x4000, s31;
	s1 =	sadd.s32 s1, s30  }
0xc3: {  	s0 =	sor.u32 s3, s0;
	s1 =	sshll.u32 s1, $0x11  }
0xc4: {  	s0 =	sor.u32 s1, s0  }
0xc5: {  	s0 =	sadd.s32 $0x8F2B, s0  }
0xc6: {  	[sflag:s0] =	ssyncadd.remote.s32 $0x1  }
0xc7: {  	_ =	sfence.sel $0xFFFF  }
0xc8: {  	[dreg:$0x0] =	wrdreg $0xFFFFFFFF;
	(pc) =	sbr.abs _section_cstart, $3  }
0xc9: {  	[dreg:$0x1] =	wrdreg $0xFFFFFFFF  }
0xca: {  	_ =	task.clear_ibuf [dreg:s9], $0x2FFFF;
	_ =	strace $0x9FFFFFFF  }
0xcb: {  	(tm) =	ssettm $0x7FFFFFFF  }
tec
execute0_lowered:
.L_overlay_start_1:
0x0: {  	(tag) =	ssettag $0x1  }
0x1: {  	s1 =	rddreg [dreg:$0x0]  }
0x2: {  	s0 =	rddreg [dreg:$0x1]  }
0x3: {  	s2 =	rddreg [dreg:$0x2];
	s3 =	srdreg.scid  }
0x4: {  	s6 =	stileid.u32;
	s4 =	rddreg [dreg:$0x3];
	s16 =	simm.s32 $0x2900  }
0x5: {  	s17 =	simm.s32 $0x3100;
	s18 =	simm.s32 $0x3900;
	s19 =	simm.s32 $0x4100  }
0x6: {  	s20 =	simm.s32 $0x4900;
	s21 =	simm.s32 $0x5100;
	s22 =	simm.s32 $0x5900  }
0x7: {  	s23 =	simm.s32 $0x6100;
	s24 =	simm.s32 $0x6900;
	s25 =	simm.s32 $0x7100  }
0x8: {  	s26 =	simm.s32 $0x7900;
	s28 =	simm.s32 $0x8100;
	s29 =	simm.s32 $0x8900  }
0x9: {  	s30 =	simm.s32 $0x1;
	s5 =	sand.u32 $0x1, s3;
	s6 =	sshll.u32 s6, $0x1  }
0xa: {  	s31 =	simm.s32 $0x12100;
	s3 =	simm.s32 $0x0;
	s6 =	sor.u32 s5, s6  }
0xb: {  	[smem:$0x7FF] =	sst s3;
	s5 =	ssub.s32 $0x2, s5;
	s7 =	smul.u32 $0x1200, s6  }
0xc: {  	s8 =	smul.u32 $0x12, s6;
	s6 =	sshll.u32 s6, $0x4;
	s10 =	sshrl.u32 s5, $0x1  }
0xd: {  	_ =	strace $0x80000047;
	s11 =	sadd.s32 s6, s4;
	s10 =	ssub.s32 s5, s10  }
0xe: {  	v2 =	vlaneseq.u32;
	s9 =	sadd.s32 s7, s4;
	s4 =	sadd.s32 s0, s8;
	s5 =	sadd.s32 s2, s7  }
0xf: {  	vm0 =	vmmov $0xffff;
	v1 =	vshrl.u32 v2, $0x3;
	s7 =	sadd.s32 $0x24A00, s11;
	s8 =	smax.u32 s10, $0x1;
	s11 =	simm.s32 $0x100  }
0x10: {  	v0 =	vand.u32 $0x7, v2;
	v2 =	vor.u32 $0x8, v2;
	v1 =	vmul.u32 $0x8, v1;
	s2 =	simm.s32 $0x0;
	s6 =	sadd.s32 $0xA00, s9;
	s9 =	simm.s32 $0x2  }
.LBB2_1:
0x11: {  	[tilespmem:s3], [sflag:$0x2] =	stream.linear.gather [hbm4b:s4+s3], $0x90, $0x38;
	[tilespmem:$0x12180] =	vst v63  }
0x12: {  	_ =	swait.ge [sflag:s9], $0x90  }
0x13: {  	[sflag:s9] =	ssyncset.done $0x0  }
0x14: {  	s0 =	simm.s32 $0x9100;
	[sflag:s9] =	ssyncadd.s32 $0xFFFFFF70  }
0x15: {  	[tilespmem:s0], [sflag:$0x2] =	stream.linear.gather [hbm4b:s5+s3], $0x9000, $0x38;
	[tilespmem:$0x12180] =	vst v63  }
0x16: {  	_ =	swait.ge [sflag:s9], $0x9000  }
0x17: {  	[sflag:s9] =	ssyncset.done $0x0  }
0x18: {  	[sflag:s9] =	ssyncadd.s32 $0xFFFF7000  }
0x19: {  	v3 =	vld [tilespmem:$0x0];
	_ =	sdelay $0x4  }
0x1a: {  	v4 =	vshll.u32 v3, $0x1  }
0x1b: {  	v3 =	vand.u32 $0x7, v3;
	v4 =	vand.u32 $0xFFFFFFF0, v4  }
0x1c: {  	v3 =	vor.u32 v3, v4  }
0x1d: {  	v4 =	vperm.xlane v3, v0;
	_ =	sdelay $0x1  }
0x1e: {  	v3 =	vperm.xlane v3, v2;
	v4 =	vadd.s32 v1, v4;
	_ =	sdelay $0x1  }
0x1f: {  	v3 =	vadd.s32 v1, v3;
	_ =	sdelay $0x2  }
0x20: {  	[tilespmem:s11], [sflag:$0x1] =	stream.indirect_vreg.gather [hbm4b:s1+s3], $0x80, v4, vm0, $0xb8;
	[tilespmem:$0x12180] =	vst v63  }
0x21: {  	s10 =	simm.s32 $0x900  }
0x22: {  	[tilespmem:s10], [sflag:$0x1] =	stream.indirect_vreg.gather [hbm4b:s1+s3], $0x80, v3, vm0, $0xb8;
	[tilespmem:$0x12180] =	vst v63  }
0x23: {  	v3 =	vld [tilespmem:$0x10];
	_ =	sdelay $0x4  }
0x24: {  	v4 =	vshll.u32 v3, $0x1  }
0x25: {  	v3 =	vand.u32 $0x7, v3;
	v4 =	vand.u32 $0xFFFFFFF0, v4  }
0x26: {  	v3 =	vor.u32 v3, v4  }
0x27: {  	v4 =	vperm.xlane v3, v0;
	_ =	sdelay $0x1  }
0x28: {  	v3 =	vperm.xlane v3, v2;
	v4 =	vadd.s32 v1, v4;
	_ =	sdelay $0x1  }
0x29: {  	v3 =	vadd.s32 v1, v3;
	_ =	sdelay $0x1  }
0x2a: {  	s12 =	simm.s32 $0x1100  }
0x2b: {  	[tilespmem:s12], [sflag:$0x1] =	stream.indirect_vreg.gather [hbm4b:s1+s3], $0x80, v4, vm0, $0xb8;
	[tilespmem:$0x12180] =	vst v63  }
0x2c: {  	s13 =	simm.s32 $0x1900  }
0x2d: {  	[tilespmem:s13], [sflag:$0x1] =	stream.indirect_vreg.gather [hbm4b:s1+s3], $0x80, v3, vm0, $0xb8;
	[tilespmem:$0x12180] =	vst v63  }
0x2e: {  	v3 =	vld [tilespmem:$0x20];
	_ =	sdelay $0x4  }
0x2f: {  	v4 =	vshll.u32 v3, $0x1  }
0x30: {  	v3 =	vand.u32 $0x7, v3;
	v4 =	vand.u32 $0xFFFFFFF0, v4  }
0x31: {  	v3 =	vor.u32 v3, v4  }
0x32: {  	v4 =	vperm.xlane v3, v0;
	_ =	sdelay $0x1  }
0x33: {  	v3 =	vperm.xlane v3, v2;
	v4 =	vadd.s32 v1, v4;
	_ =	sdelay $0x1  }
0x34: {  	v3 =	vadd.s32 v1, v3;
	_ =	sdelay $0x1  }
0x35: {  	s14 =	simm.s32 $0x2100  }
0x36: {  	[tilespmem:s14], [sflag:$0x1] =	stream.indirect_vreg.gather [hbm4b:s1+s3], $0x80, v4, vm0, $0xb8;
	[tilespmem:$0x12180] =	vst v63  }
0x37: {  	_ = 	snop  }
0x38: {  	[tilespmem:s16], [sflag:$0x1] =	stream.indirect_vreg.gather [hbm4b:s1+s3], $0x80, v3, vm0, $0xb8;
	[tilespmem:$0x12180] =	vst v63  }
0x39: {  	v3 =	vld [tilespmem:$0x30];
	_ =	sdelay $0x4  }
0x3a: {  	v4 =	vshll.u32 v3, $0x1  }
0x3b: {  	v3 =	vand.u32 $0x7, v3;
	v4 =	vand.u32 $0xFFFFFFF0, v4  }
0x3c: {  	v3 =	vor.u32 v3, v4  }
0x3d: {  	v4 =	vperm.xlane v3, v0;
	_ =	sdelay $0x1  }
0x3e: {  	v3 =	vperm.xlane v3, v2;
	v4 =	vadd.s32 v1, v4;
	_ =	sdelay $0x1  }
0x3f: {  	v3 =	vadd.s32 v1, v3;
	_ =	sdelay $0x2  }
0x40: {  	[tilespmem:s17], [sflag:$0x1] =	stream.indirect_vreg.gather [hbm4b:s1+s3], $0x80, v4, vm0, $0xb8;
	[tilespmem:$0x12180] =	vst v63  }
0x41: {  	_ = 	snop  }
0x42: {  	[tilespmem:s18], [sflag:$0x1] =	stream.indirect_vreg.gather [hbm4b:s1+s3], $0x80, v3, vm0, $0xb8;
	[tilespmem:$0x12180] =	vst v63  }
0x43: {  	v3 =	vld [tilespmem:$0x40];
	_ =	sdelay $0x4  }
0x44: {  	v4 =	vshll.u32 v3, $0x1  }
0x45: {  	v3 =	vand.u32 $0x7, v3;
	v4 =	vand.u32 $0xFFFFFFF0, v4  }
0x46: {  	v3 =	vor.u32 v3, v4  }
0x47: {  	v4 =	vperm.xlane v3, v0;
	_ =	sdelay $0x1  }
0x48: {  	v3 =	vperm.xlane v3, v2;
	v4 =	vadd.s32 v1, v4;
	_ =	sdelay $0x1  }
0x49: {  	v3 =	vadd.s32 v1, v3;
	_ =	sdelay $0x2  }
0x4a: {  	[tilespmem:s19], [sflag:$0x1] =	stream.indirect_vreg.gather [hbm4b:s1+s3], $0x80, v4, vm0, $0xb8;
	[tilespmem:$0x12180] =	vst v63  }
0x4b: {  	_ = 	snop  }
0x4c: {  	[tilespmem:s20], [sflag:$0x1] =	stream.indirect_vreg.gather [hbm4b:s1+s3], $0x80, v3, vm0, $0xb8;
	[tilespmem:$0x12180] =	vst v63  }
0x4d: {  	v3 =	vld [tilespmem:$0x50];
	_ =	sdelay $0x4  }
0x4e: {  	v4 =	vshll.u32 v3, $0x1  }
0x4f: {  	v3 =	vand.u32 $0x7, v3;
	v4 =	vand.u32 $0xFFFFFFF0, v4  }
0x50: {  	v3 =	vor.u32 v3, v4  }
0x51: {  	v4 =	vperm.xlane v3, v0;
	_ =	sdelay $0x1  }
0x52: {  	v3 =	vperm.xlane v3, v2;
	v4 =	vadd.s32 v1, v4;
	_ =	sdelay $0x1  }
0x53: {  	v3 =	vadd.s32 v1, v3;
	_ =	sdelay $0x2  }
0x54: {  	[tilespmem:s21], [sflag:$0x1] =	stream.indirect_vreg.gather [hbm4b:s1+s3], $0x80, v4, vm0, $0xb8;
	[tilespmem:$0x12180] =	vst v63  }
0x55: {  	_ = 	snop  }
0x56: {  	[tilespmem:s22], [sflag:$0x1] =	stream.indirect_vreg.gather [hbm4b:s1+s3], $0x80, v3, vm0, $0xb8;
	[tilespmem:$0x12180] =	vst v63  }
0x57: {  	v3 =	vld [tilespmem:$0x60];
	_ =	sdelay $0x4  }
0x58: {  	v4 =	vshll.u32 v3, $0x1  }
0x59: {  	v3 =	vand.u32 $0x7, v3;
	v4 =	vand.u32 $0xFFFFFFF0, v4  }
0x5a: {  	v3 =	vor.u32 v3, v4  }
0x5b: {  	v4 =	vperm.xlane v3, v0;
	_ =	sdelay $0x1  }
0x5c: {  	v3 =	vperm.xlane v3, v2;
	v4 =	vadd.s32 v1, v4;
	_ =	sdelay $0x1  }
0x5d: {  	v3 =	vadd.s32 v1, v3;
	_ =	sdelay $0x2  }
0x5e: {  	[tilespmem:s23], [sflag:$0x1] =	stream.indirect_vreg.gather [hbm4b:s1+s3], $0x80, v4, vm0, $0xb8;
	[tilespmem:$0x12180] =	vst v63  }
0x5f: {  	_ = 	snop  }
0x60: {  	[tilespmem:s24], [sflag:$0x1] =	stream.indirect_vreg.gather [hbm4b:s1+s3], $0x80, v3, vm0, $0xb8;
	[tilespmem:$0x12180] =	vst v63  }
0x61: {  	v3 =	vld [tilespmem:$0x70];
	_ =	sdelay $0x4  }
0x62: {  	v4 =	vshll.u32 v3, $0x1  }
0x63: {  	v3 =	vand.u32 $0x7, v3;
	v4 =	vand.u32 $0xFFFFFFF0, v4  }
0x64: {  	v3 =	vor.u32 v3, v4  }
0x65: {  	v4 =	vperm.xlane v3, v0;
	_ =	sdelay $0x1  }
0x66: {  	v3 =	vperm.xlane v3, v2;
	v4 =	vadd.s32 v1, v4;
	_ =	sdelay $0x1  }
0x67: {  	v3 =	vadd.s32 v1, v3;
	_ =	sdelay $0x2  }
0x68: {  	[tilespmem:s25], [sflag:$0x1] =	stream.indirect_vreg.gather [hbm4b:s1+s3], $0x80, v4, vm0, $0xb8;
	[tilespmem:$0x12180] =	vst v63  }
0x69: {  	_ = 	snop  }
0x6a: {  	[tilespmem:s26], [sflag:$0x1] =	stream.indirect_vreg.gather [hbm4b:s1+s3], $0x80, v3, vm0, $0xb8;
	[tilespmem:$0x12180] =	vst v63  }
0x6b: {  	v3 =	vld [tilespmem:$0x80];
	_ =	sdelay $0x4  }
0x6c: {  	v4 =	vshll.u32 v3, $0x1  }
0x6d: {  	v3 =	vand.u32 $0x7, v3;
	v4 =	vand.u32 $0xFFFFFFF0, v4  }
0x6e: {  	v3 =	vor.u32 v3, v4  }
0x6f: {  	v4 =	vperm.xlane v3, v0;
	_ =	sdelay $0x1  }
0x70: {  	v3 =	vperm.xlane v3, v2;
	v4 =	vadd.s32 v1, v4;
	_ =	sdelay $0x1  }
0x71: {  	v3 =	vadd.s32 v1, v3;
	_ =	sdelay $0x2  }
0x72: {  	[tilespmem:s28], [sflag:$0x1] =	stream.indirect_vreg.gather [hbm4b:s1+s3], $0x80, v4, vm0, $0xb8;
	[tilespmem:$0x12180] =	vst v63  }
0x73: {  	_ = 	snop  }
0x74: {  	[tilespmem:s29], [sflag:$0x1] =	stream.indirect_vreg.gather [hbm4b:s1+s3], $0x80, v3, vm0, $0xb8;
	[tilespmem:$0x12180] =	vst v63  }
0x75: {  	_ =	swait.ge [sflag:s30], $0x9000  }
0x76: {  	s15 =	sand.u32 $0xF800, s3;
	s10 =	sand.u32 $0x380, s3;
	[sflag:s30] =	ssyncset.done $0x0  }
0x77: {  	s0 =	sor.u32 s10, s15;
	[sflag:s30] =	ssyncadd.s32 $0xFFFF7000  }
0x78: {  	v3 =	vld [tilespmem:s0+$0x100]  }
0x79: {  	v4 =	vld [tilespmem:s0+$0x9100]  }
0x7a: {  	v5 =	vld [tilespmem:s0+$0x110]  }
0x7b: {  	v6 =	vld [tilespmem:s0+$0x9110]  }
0x7c: {  	v7 =	vld [tilespmem:s0+$0x120]  }
0x7d: {  	v8 =	vld [tilespmem:s0+$0x9120]  }
0x7e: {  	v9 =	vld [tilespmem:s0+$0x130];
	v3 =	vsub.f32 v3, v4  }
0x7f: {  	v10 =	vld [tilespmem:s0+$0x9130]  }
0x80: {  	v11 =	vld [tilespmem:s0+$0x140];
	v5 =	vsub.f32 v5, v6;
	v4 =	vadd.f32 v3, v4  }
0x81: {  	v12 =	vld [tilespmem:s0+$0x9140];
	v3 =	vmul.f32 v3, v3  }
0x82: {  	v13 =	vimm.f32 $0.0e+00;
	[tilespmem:s0+$0x100] =	vst v4;
	v4 =	vadd.f32 v5, v6;
	v6 =	vsub.f32 v7, v8;
	v7 =	vld [tilespmem:s0+$0x150]  }
0x83: {  	v5 =	vmul.f32 v5, v5;
	v3 =	vadd.f32 v3, v13;
	v13 =	vld [tilespmem:s0+$0x9150]  }
0x84: {  	[tilespmem:s0+$0x110] =	vst v4;
	v4 =	vadd.f32 v6, v8;
	v8 =	vsub.f32 v9, v10;
	v9 =	vld [tilespmem:s0+$0x160]  }
0x85: {  	v6 =	vmul.f32 v6, v6;
	v3 =	vadd.f32 v5, v3;
	v5 =	vld [tilespmem:s0+$0x9160]  }
0x86: {  	[tilespmem:s0+$0x120] =	vst v4;
	v4 =	vadd.f32 v8, v10;
	v10 =	vsub.f32 v11, v12;
	v11 =	vld [tilespmem:s0+$0x170]  }
0x87: {  	v8 =	vmul.f32 v8, v8;
	v3 =	vadd.f32 v6, v3;
	v6 =	vld [tilespmem:s0+$0x9170]  }
0x88: {  	[tilespmem:s0+$0x130] =	vst v4;
	v4 =	vadd.f32 v10, v12;
	v12 =	vld [tilespmem:s0+$0x500]  }
0x89: {  	v7 =	vsub.f32 v7, v13;
	v10 =	vmul.f32 v10, v10;
	v3 =	vadd.f32 v8, v3;
	v8 =	vld [tilespmem:s0+$0x9500]  }
0x8a: {  	v14 =	vld [tilespmem:s0+$0x9510];
	[tilespmem:s0+$0x140] =	vst v4;
	v4 =	vsub.f32 v9, v5  }
0x8b: {  	v13 =	vadd.f32 v7, v13;
	v7 =	vmul.f32 v7, v7;
	v9 =	vld [tilespmem:s0+$0x510];
	v3 =	vadd.f32 v10, v3  }
0x8c: {  	v10 =	vsub.f32 v11, v6;
	v11 =	vld [tilespmem:s0+$0x520];
	v5 =	vadd.f32 v4, v5  }
0x8d: {  	[tilespmem:s0+$0x150] =	vst v13;
	v13 =	vld [tilespmem:s0+$0x9520];
	v4 =	vmul.f32 v4, v4;
	v3 =	vadd.f32 v7, v3  }
0x8e: {  	v15 =	vld [tilespmem:s0+$0x530];
	[tilespmem:s0+$0x160] =	vst v5;
	v5 =	vadd.f32 v10, v6;
	v6 =	vsub.f32 v12, v8  }
0x8f: {  	v7 =	vmul.f32 v10, v10;
	v4 =	vadd.f32 v4, v3;
	v3 =	vld [tilespmem:s0+$0x9530]  }
0x90: {  	v10 =	vld [tilespmem:s0+$0x540];
	[tilespmem:s0+$0x170] =	vst v5;
	v5 =	vadd.f32 v6, v8;
	v8 =	vsub.f32 v9, v14  }
0x91: {  	v12 =	vmul.f32 v6, v6;
	v4 =	vadd.f32 v7, v4;
	v6 =	vld [tilespmem:s0+$0x9540]  }
0x92: {  	v9 =	vld [tilespmem:s0+$0x550];
	[tilespmem:s0+$0x500] =	vst v5;
	v5 =	vadd.f32 v8, v14;
	v14 =	vsub.f32 v11, v13  }
0x93: {  	v7 =	vld [tilespmem:s0+$0x9550];
	v8 =	vmul.f32 v8, v8;
	v16 =	vadd.f32 v12, v4  }
0x94: {  	v11 =	vld [tilespmem:s0+$0x560];
	v4 =	vadd.f32 v14, v13  }
0x95: {  	s10 =	simm.s32 $0x80;
	s12 =	simm.s32 $0x100;
	[tilespmem:s0+$0x510] =	vst v5;
	v12 =	vmul.f32 v14, v14;
	v5 =	vsub.f32 v15, v3;
	v13 =	vadd.f32 v8, v16;
	v8 =	vld [tilespmem:s0+$0x9560]  }
.LBB2_2:
0x96: {  	s14 =	smov.u32 s12  }
0x97: {  	s13 =	sand.u32 $0xF800, s12;
	s15 =	sand.u32 $0x380, s10;
	v14 =	vmul.f32 v5, v5;
	v10 =	vsub.f32 v10, v6;
	v15 =	vld [tilespmem:s0+$0x570];
	s14 =	sadd.s32 $0x100, s12  }
0x98: {  	p0 =	sne.s32 s12, $0x8F00;
	s13 =	sor.u32 s15, s13;
	v12 =	vadd.f32 v12, v13;
	v13 =	vld [tilespmem:s0+$0x9570]  }
0x99: {  	v6 =	vadd.f32 v10, v6;
	v10 =	vmul.f32 v10, v10;
	v9 =	vsub.f32 v9, v7;
	v16 =	vld [tilespmem:s13+$0x100]  }
0x9a: {  	v12 =	vadd.f32 v14, v12;
	v17 =	vld [tilespmem:s13+$0x9100]  }
0x9b: {  	v14 =	vld [tilespmem:s13+$0x110];
	[tilespmem:s0+$0x540] =	vst v6;
	v6 =	vadd.f32 v9, v7;
	v7 =	vmul.f32 v9, v9;
	v9 =	vsub.f32 v11, v8  }
0x9c: {  	v10 =	vadd.f32 v10, v12;
	v11 =	vld [tilespmem:s13+$0x9110]  }
0x9d: {  	v12 =	vld [tilespmem:s13+$0x120];
	[tilespmem:s0+$0x550] =	vst v6;
	v6 =	vadd.f32 v9, v8;
	v8 =	vmul.f32 v9, v9;
	v9 =	vsub.f32 v15, v13  }
0x9e: {  	v7 =	vadd.f32 v7, v10;
	v15 =	vld [tilespmem:s13+$0x9120]  }
0x9f: {  	v10 =	vsub.f32 v16, v17;
	v16 =	vld [tilespmem:s13+$0x130];
	[tilespmem:s0+$0x560] =	vst v6;
	v6 =	vadd.f32 v9, v13;
	v9 =	vmul.f32 v9, v9  }
0xa0: {  	v7 =	vadd.f32 v8, v7;
	v13 =	vld [tilespmem:s13+$0x9130]  }
0xa1: {  	v8 =	vadd.f32 v10, v17;
	v10 =	vmul.f32 v10, v10;
	v14 =	vsub.f32 v14, v11;
	v17 =	vld [tilespmem:s13+$0x140];
	[tilespmem:s0+$0x570] =	vst v6  }
0xa2: {  	v7 =	vadd.f32 v9, v7;
	v6 =	vld [tilespmem:s13+$0x9140]  }
0xa3: {  	[tilespmem:s13+$0x100] =	vst v8;
	v8 =	vadd.f32 v14, v11;
	v9 =	vmul.f32 v14, v14;
	v11 =	vsub.f32 v12, v15;
	v12 =	vld [tilespmem:s13+$0x150]  }
0xa4: {  	v7 =	vadd.f32 v10, v7;
	v10 =	vld [tilespmem:s13+$0x9150]  }
0xa5: {  	[tilespmem:s13+$0x110] =	vst v8;
	v8 =	vadd.f32 v11, v15;
	v11 =	vmul.f32 v11, v11;
	v14 =	vsub.f32 v16, v13;
	v15 =	vld [tilespmem:s13+$0x160]  }
0xa6: {  	v7 =	vadd.f32 v9, v7;
	v9 =	vld [tilespmem:s13+$0x9160]  }
0xa7: {  	[tilespmem:s13+$0x120] =	vst v8;
	v8 =	vadd.f32 v14, v13;
	v13 =	vmul.f32 v14, v14;
	v14 =	vsub.f32 v17, v6;
	v16 =	vld [tilespmem:s13+$0x170]  }
0xa8: {  	v7 =	vadd.f32 v11, v7;
	v11 =	vld [tilespmem:s13+$0x9170]  }
0xa9: {  	[tilespmem:s13+$0x130] =	vst v8;
	v6 =	vadd.f32 v14, v6;
	v8 =	vmul.f32 v14, v14;
	v14 =	vld [tilespmem:s13+$0x500]  }
0xaa: {  	v7 =	vadd.f32 v13, v7;
	v12 =	vsub.f32 v12, v10;
	v13 =	vld [tilespmem:s13+$0x9500]  }
0xab: {  	v3 =	vadd.f32 v5, v3;
	[tilespmem:s13+$0x140] =	vst v6;
	v6 =	vsub.f32 v15, v9;
	v15 =	vld [tilespmem:s13+$0x510]  }
0xac: {  	v5 =	vadd.f32 v8, v7;
	v7 =	vadd.f32 v12, v10;
	v8 =	vmul.f32 v12, v12;
	v12 =	vld [tilespmem:s13+$0x9510];
	[tilespmem:s0+$0x520] =	vst v4  }
0xad: {  	v4 =	vadd.f32 v6, v9;
	v6 =	vmul.f32 v6, v6;
	v9 =	vsub.f32 v16, v11;
	v16 =	vld [tilespmem:s13+$0x520];
	[tilespmem:s0+$0x530] =	vst v3;
	s0 =	smov.u32 s13  }
0xae: {  	v3 =	vadd.f32 v8, v5;
	[tilespmem:s0+$0x150] =	vst v7;
	v5 =	vld [tilespmem:s0+$0x9520]  }
0xaf: {  	[tilespmem:s0+$0x160] =	vst v4;
	v4 =	vadd.f32 v9, v11;
	v7 =	vmul.f32 v9, v9;
	v8 =	vsub.f32 v14, v13;
	v11 =	vld [tilespmem:s0+$0x530]  }
0xb0: {  	v6 =	vadd.f32 v6, v3;
	v3 =	vld [tilespmem:s0+$0x9530]  }
0xb1: {  	[tilespmem:s0+$0x170] =	vst v4;
	v4 =	vadd.f32 v8, v13;
	v8 =	vmul.f32 v8, v8;
	v9 =	vsub.f32 v15, v12;
	v10 =	vld [tilespmem:s0+$0x540]  }
.Ltmp0:
0xb2: {  	v7 =	vadd.f32 v7, v6;
	v6 =	vld [tilespmem:s0+$0x9540];
	(pc) =	sbr.rel @p0 .LBB2_2-.Ltmp0, $4  }
0xb3: {  	[tilespmem:s0+$0x500] =	vst v4;
	v4 =	vadd.f32 v9, v12;
	v13 =	vmul.f32 v9, v9;
	v12 =	vsub.f32 v16, v5;
	v9 =	vld [tilespmem:s0+$0x550]  }
0xb4: {  	v8 =	vadd.f32 v8, v7;
	v7 =	vld [tilespmem:s0+$0x9550]  }
0xb5: {  	[tilespmem:s0+$0x510] =	vst v4;
	v4 =	vadd.f32 v12, v5;
	v12 =	vmul.f32 v12, v12;
	v5 =	vsub.f32 v11, v3;
	v11 =	vld [tilespmem:s0+$0x560]  }
0xb6: {  	s10 =	sadd.s32 $0x80, s10;
	s12 =	smov.u32 s14;
	v13 =	vadd.f32 v13, v8;
	v8 =	vld [tilespmem:s0+$0x9560]  }
0xb7: {  	_ = 	snop  }
0xb8: {  	v14 =	vld [tilespmem:s0+$0x570];
	v15 =	vmul.f32 v5, v5;
	v10 =	vsub.f32 v10, v6;
	v12 =	vadd.f32 v12, v13  }
0xb9: {  	v55 =	vld [tilespmem:s0+$0x9570]  }
0xba: {  	v56 =	vmul.f32 v10, v10;
	v9 =	vsub.f32 v9, v7;
	v12 =	vadd.f32 v15, v12;
	_ =	sdelay $0x1  }
0xbb: {  	v57 =	vmul.f32 v9, v9;
	v11 =	vsub.f32 v11, v8;
	v12 =	vadd.f32 v56, v12  }
0xbc: {  	v3 =	vadd.f32 v5, v3;
	v6 =	vadd.f32 v10, v6  }
0xbd: {  	[tilespmem:s0+$0x520] =	vst v4;
	v58 =	vsub.f32 v14, v55;
	v60 =	vmul.f32 v11, v11;
	v10 =	vadd.f32 v57, v12  }
0xbe: {  	[tilespmem:s0+$0x530] =	vst v3;
	v7 =	vadd.f32 v9, v7  }
0xbf: {  	[tilespmem:s0+$0x540] =	vst v6;
	v59 =	vadd.f32 v11, v8;
	v62 =	vmul.f32 v58, v58;
	v8 =	vadd.f32 v60, v10  }
0xc0: {  	[tilespmem:s0+$0x550] =	vst v7;
	v61 =	vadd.f32 v58, v55  }
0xc1: {  	[tilespmem:s0+$0x560] =	vst v59;
	v63 =	vadd.f32 v62, v8  }
0xc2: {  	[tilespmem:s0+$0x570] =	vst v61  }
0xc3: {  	[tilespmem:$0x12100] =	vst v63  }
0xc4: {  	[hbm4b:s6+s3] =	stream.linear.scatter [tilespmem:s11], [sflag:$0x2], $0x9000, $0x38;
	[tilespmem:$0x12180] =	vst v63  }
0xc5: {  	s2 =	sadd.s32 $0x1, s2;
	_ =	swait.ge [sflag:s9], $0x9000  }
0xc6: {  	p0 =	sne.s32 s2, s8;
	[sflag:s9] =	ssyncset.done $0x0  }
.Ltmp1:
0xc7: {  	[sflag:s9] =	ssyncadd.s32 $0xFFFF7000;
	(pc) =	sbr.rel @p0 .LBB2_1-.Ltmp1, $4  }
0xc8: {  	[hbm4b:s7+s3] =	stream.linear.scatter [tilespmem:s31], [sflag:$0x2], $0x80, $0x38;
	[tilespmem:$0x12180] =	vst v63  }
0xc9: {  	_ =	swait.ge [sflag:s9], $0x80  }
0xca: {  	[sflag:s9] =	ssyncset.done $0x0  }
0xcb: {  	[sflag:s9] =	ssyncadd.s32 $0xFFFFFF80  }
0xcc: {  	_ =	sfence.sel $0x180000  }
0xcd: {  	[bflag:$0x0] =	sbarrier.arrive $0xFFFF  }
0xce: {  	_ =	strace $0x90000047  }
0xcf: {  	s0 =	stileid.u32;
	[bflag:$0x2] =	sbarrier.arrive $0xFFFF  }
0xd0: {  	p0 =	sne.s32 s0, $0x0;
	s0 =	rddreg [dreg:$0x4]  }
0xd1: {  	s0 =	sadd.s32 @!p0 $0x100000, s0  }
0xd2: {  	[sflag:s0] =	ssyncadd.tile.s32 @!p0 $0x1;
	_ =	shalt  }
.Lfunc_end2:
_tile_overlayer_lowered:
.L_overlay_start_2:
0xd3: {  	(tag) =	ssettag $0x2  }
0xd4: {  	s0 =	rddreg [dreg:$0x0];
	s2 =	stileid.u32  }
0xd5: {  	s1 =	rddreg [dreg:$0x1];
	p0 =	sne.s32 s2, $0x0  }
0xd6: {  	s3 =	rddreg [dreg:$0x2];
	[bflag:$0x3] =	sbarrier.arrive $0xFFFF;
	s2 =	simm.s32 @!p0 $0x1C02  }
0xd7: {  	[timem:s3], [sflag:s2] =	dma.local @!p0 [hbm:s0], s1  }
0xd8: {  	s0 =	simm.s32 @!p0 $0x2  }
0xd9: {  	_ =	swait.ge @!p0 [sflag:s0], s1  }
0xda: {  	s1 =	ssub.s32 @!p0 $0x0, s1;
	[sflag:s0] =	ssyncset.done @!p0 $0x0  }
0xdb: {  	[sflag:s0] =	ssyncadd.s32 @!p0 s1  }
0xdc: {  	[bflag:$0x3] =	sbarrier.arrive $0xFFFF  }
0xdd: {  	_ =	shalt  }

</sc_bundles>
